<compile_context>
chip_gen: v7x
topology: tpu7x:2x2x1
jax: 0.10.2.dev20260603
libtpu: 0.0.44.dev20260713+nightly
codegen_flags: <defaults>
</compile_context>

<pallas_src>
import functools

import jax
import jax.numpy as jnp
from jax import lax
from jax.experimental import pallas as pl
from jax.experimental.pallas import tpu as pltpu
from jax.experimental.pallas import tpu_sc as plsc

NWORK = 32
GRP = 128


def _argmin_body(cz_ref, pzt_ref, out_ref, rmin, ridx, hmin, hidx):
    b = pl.program_id(0)
    j = pl.program_id(1)
    nch = pl.num_programs(1)
    half = nch // 2
    nc = pzt_ref.shape[2]
    n_total = nc * nch
    m = cz_ref.shape[1]

    cz = cz_ref[0]
    pzt = pzt_ref[0]
    c2 = jnp.sum(cz * cz, axis=1, keepdims=True)
    p2 = jnp.sum(pzt * pzt, axis=0, keepdims=True)
    cp = jnp.dot(cz, pzt, preferred_element_type=jnp.float32)
    d2 = (c2 + p2) - 2.0 * cp

    cmin = jnp.min(d2, axis=1, keepdims=True)
    lane = lax.broadcasted_iota(jnp.int32, d2.shape, 1)
    big = jnp.int32(2**30)
    cidx = jnp.min(jnp.where(d2 == cmin, lane, big), axis=1, keepdims=True)
    cidx = cidx + j * nc

    cmin_b = jnp.broadcast_to(cmin, (m, 128))
    cidx_b = jnp.broadcast_to(cidx, (m, 128))

    @pl.when((j == 0) | (j == half))
    def _():
        rmin[...] = cmin_b
        ridx[...] = cidx_b

    @pl.when((j != 0) & (j != half))
    def _():
        better = cmin_b < rmin[...]
        rmin[...] = jnp.where(better, cmin_b, rmin[...])
        ridx[...] = jnp.where(better, cidx_b, ridx[...])

    @pl.when(j == half - 1)
    def _():
        hmin[...] = rmin[...]
        hidx[...] = ridx[...]

    @pl.when(j == nch - 1)
    def _():
        h1b = hmin[...].astype(jnp.bfloat16).astype(jnp.float32)
        steal = rmin[...] < h1b
        nn = jnp.where(steal, ridx[...], hidx[...])
        out_ref[0] = nn[:, 0:1] + b * n_total


def _nn_argmin(centers_xyz, pzt, nc=4096):
    bsz, m, _ = centers_xyz.shape
    n = pzt.shape[2]
    grid = (bsz, n // nc)
    return pl.pallas_call(
        _argmin_body,
        grid=grid,
        in_specs=[
            pl.BlockSpec((1, m, 3), lambda b, j: (b, 0, 0)),
            pl.BlockSpec((1, 3, nc), lambda b, j: (b, 0, j)),
        ],
        out_specs=pl.BlockSpec((1, m, 1), lambda b, j: (b, 0, 0)),
        out_shape=jax.ShapeDtypeStruct((bsz, m, 1), jnp.int32),
        scratch_shapes=[
            pltpu.VMEM((m, 128), jnp.float32),
            pltpu.VMEM((m, 128), jnp.int32),
            pltpu.VMEM((m, 128), jnp.float32),
            pltpu.VMEM((m, 128), jnp.int32),
        ],
        compiler_params=pltpu.CompilerParams(
            dimension_semantics=("arbitrary", "arbitrary")),
    )(centers_xyz, pzt)


def _make_sc_gather_pair(r, f, chunk):
    ch = r // NWORK
    nt = ch // chunk
    ng = chunk // GRP
    mesh = plsc.VectorSubcoreMesh(core_axis_name="c", subcore_axis_name="s")

    @functools.partial(
        pl.kernel,
        out_type=(jax.ShapeDtypeStruct((r, f), jnp.float32),
                  jax.ShapeDtypeStruct((r, 16), jnp.float32)),
        mesh=mesh,
        scratch_types=[
            pltpu.VMEM((ch // GRP, GRP), jnp.int32),
            pltpu.VMEM((chunk, f), jnp.float32),
            pltpu.VMEM((chunk, 16), jnp.float32),
            pltpu.SemaphoreType.DMA,
            pltpu.SemaphoreType.DMA,
        ],
        compiler_params=pltpu.CompilerParams(use_tc_tiling_on_sc=False),
    )
    def k(idx_hbm, feats_hbm, xyz16_hbm, nf_hbm, nx_hbm,
          idx_v, fbuf, xbuf, semf, semx):
        wid = lax.axis_index("s") * 2 + lax.axis_index("c")
        base = wid * ch
        pltpu.sync_copy(idx_hbm.at[pl.ds(wid * (ch // GRP), ch // GRP)], idx_v)
        for t in range(nt):
            cps = []
            for g in range(ng):
                row = t * ng + g
                cps.append(pltpu.async_copy(
                    feats_hbm.at[idx_v.at[row]],
                    fbuf.at[pl.ds(g * GRP, GRP)], semf))
                cps.append(pltpu.async_copy(
                    xyz16_hbm.at[idx_v.at[row]],
                    xbuf.at[pl.ds(g * GRP, GRP)], semx))
            for c in cps:
                c.wait()
            pltpu.sync_copy(fbuf, nf_hbm.at[pl.ds(base + t * chunk, chunk)])
            pltpu.sync_copy(xbuf, nx_hbm.at[pl.ds(base + t * chunk, chunk)])

    return k


def _make_sc_gather_center(g, f):
    ch = g // NWORK
    assert ch == GRP
    mesh = plsc.VectorSubcoreMesh(core_axis_name="c", subcore_axis_name="s")

    @functools.partial(
        pl.kernel,
        out_type=jax.ShapeDtypeStruct((g, f), jnp.float32),
        mesh=mesh,
        scratch_types=[
            pltpu.VMEM((GRP,), jnp.int32),
            pltpu.VMEM((GRP, f), jnp.float32),
            pltpu.SemaphoreType.DMA,
        ],
        compiler_params=pltpu.CompilerParams(use_tc_tiling_on_sc=False),
    )
    def k(idx_hbm, feats_hbm, cf_hbm, idx_v, fbuf, sem):
        wid = lax.axis_index("s") * 2 + lax.axis_index("c")
        pltpu.sync_copy(idx_hbm.at[wid], idx_v)
        pltpu.async_copy(feats_hbm.at[idx_v], fbuf, sem).wait()
        pltpu.sync_copy(fbuf, cf_hbm.at[pl.ds(wid * GRP, GRP)])

    return k


def _silu(x):
    return x * jax.nn.sigmoid(x)


def _ln(x, g, b):
    mu = jnp.mean(x, axis=-1, keepdims=True)
    d = x - mu
    var = jnp.mean(d * d, axis=-1, keepdims=True)
    return d / jnp.sqrt(var + 1e-5) * g + b


def _mlp_body(nf_ref, nx_ref, cf_ref, cx_ref, w1_ref, w2, wp,
              b1r, g1r, be1r, b2r, g2r, be2r, bpr, out_ref, acc):
    k = pl.program_id(1)
    kk = pl.num_programs(1)

    @pl.when(k == 0)
    def _():
        acc[...] = jnp.zeros_like(acc)

    cf = cf_ref[...]
    fuse = jnp.concatenate(
        [cf, nf_ref[0] - cf, nx_ref[0] - cx_ref[...]], axis=1)
    h = _silu(jnp.dot(fuse, w1_ref[...],
                      preferred_element_type=jnp.float32) + b1r[...])
    h = _ln(h, g1r[...], be1r[...])
    h = _silu(jnp.dot(h, w2[...],
                      preferred_element_type=jnp.float32) + b2r[...])
    h = _ln(h, g2r[...], be2r[...])
    acc[...] += h

    @pl.when(k == kk - 1)
    def _():
        out_ref[...] = jnp.dot(acc[...] * (1.0 / kk), wp[...],
                               preferred_element_type=jnp.float32) + bpr[...]


def _mlp(nf3, nx3, cf, cx16, w1_144, w2, wp,
         b1, g1, be1, b2, g2, be2, bp, gb=1024):
    kk, g, f = nf3.shape
    out = wp.shape[1]
    ng = g // gb
    vec = pl.BlockSpec((1, out), lambda gi, ki: (0, 0))
    sq = pl.BlockSpec((f, out), lambda gi, ki: (0, 0))
    w1s = pl.BlockSpec((f + f + 16, out), lambda gi, ki: (0, 0))
    return pl.pallas_call(
        _mlp_body,
        grid=(ng, kk),
        in_specs=[
            pl.BlockSpec((1, gb, f), lambda gi, ki: (ki, gi, 0)),
            pl.BlockSpec((1, gb, 16), lambda gi, ki: (ki, gi, 0)),
            pl.BlockSpec((gb, f), lambda gi, ki: (gi, 0)),
            pl.BlockSpec((gb, 16), lambda gi, ki: (gi, 0)),
            w1s, sq, sq,
            vec, vec, vec, vec, vec, vec, vec,
        ],
        out_specs=pl.BlockSpec((gb, out), lambda gi, ki: (gi, 0)),
        out_shape=jax.ShapeDtypeStruct((g, out), jnp.float32),
        scratch_shapes=[
            pltpu.VMEM((gb, out), jnp.float32),
        ],
        compiler_params=pltpu.CompilerParams(
            dimension_semantics=("arbitrary", "arbitrary")),
    )(nf3, nx3, cf, cx16, w1_144, w2, wp,
      b1.reshape(1, -1), g1.reshape(1, -1), be1.reshape(1, -1),
      b2.reshape(1, -1), g2.reshape(1, -1), be2.reshape(1, -1),
      bp.reshape(1, -1))


def kernel(centers_xyz, feats, points_xyz, knn_idx,
           W1, b1, g1, be1, W2, b2, g2, be2, Wp, bp):
    bsz, m, _ = centers_xyz.shape
    n, f = feats.shape[1], feats.shape[2]
    k = knn_idx.shape[2]
    out = Wp.shape[1]
    g = bsz * m
    r = g * k

    knn = knn_idx.astype(jnp.int32)
    boff = (jnp.arange(bsz, dtype=jnp.int32) * n)[:, None, None]
    gidx = (knn + boff).reshape(g, k).T.reshape(r // GRP, GRP)
    feats_flat = feats.reshape(bsz * n, f)
    xyz_flat = points_xyz.reshape(bsz * n, 3)
    xyz16 = jnp.concatenate(
        [xyz_flat, jnp.zeros((bsz * n, 13), jnp.float32)], axis=1)
    pzt = points_xyz.transpose(0, 2, 1)
    cx16 = jnp.concatenate(
        [centers_xyz.reshape(g, 3), jnp.zeros((g, 13), jnp.float32)], axis=1)
    w1_144 = jnp.concatenate(
        [W1, jnp.zeros((13, out), jnp.float32)], axis=0)

    nf_flat, nx_flat = _make_sc_gather_pair(r, f, chunk=1024)(
        gidx, feats_flat, xyz16)

    nn_rows = _nn_argmin(centers_xyz, pzt).reshape(g // GRP, GRP)

    cf = _make_sc_gather_center(g, f)(nn_rows, feats_flat)

    h = _mlp(nf_flat.reshape(k, g, f), nx_flat.reshape(k, g, 16),
             cf, cx16, w1_144, W2, Wp,
             b1, g1, be1, b2, g2, be2, bp)
    return h.reshape(bsz, m, out)

# --- scband reference (transcript-rebuilt; emitter-appended) ---
"""Pipeline reference for scband-neighborhood-fuse-43550968381553 (READ-ONLY COPY).

The authoritative reference and input builder live on the scoring server;
editing this copy changes nothing except your own understanding.
"""

import jax, jax.numpy as jnp
import numpy as np

B, M, N, K, F, OUT = 4, 1024, 16384, 16, 64, 64
IN_DIM = F + F + 3

def setup_inputs(seed: int = 0) -> dict:
    key = jax.random.key(seed)
    ks = jax.random.split(key, 12)
    centers_xyz = jax.random.normal(ks[0], (B, M, 3), dtype=jnp.float32)
    feats = jax.random.normal(ks[1], (B, N, F), dtype=jnp.float32)
    points_xyz = jax.random.normal(ks[2], (B, N, 3), dtype=jnp.float32)
    knn_idx = jax.random.randint(ks[3], (B, M, K), 0, N, dtype=jnp.int64)
    W1 = jax.random.normal(ks[4], (IN_DIM, OUT), dtype=jnp.float32) * 0.05
    b1 = jnp.zeros((OUT,), dtype=jnp.float32)
    g1 = jnp.ones((OUT,), dtype=jnp.float32)
    be1 = jnp.zeros((OUT,), dtype=jnp.float32)
    W2 = jax.random.normal(ks[5], (OUT, OUT), dtype=jnp.float32) * 0.05
    b2 = jnp.zeros((OUT,), dtype=jnp.float32)
    g2 = jnp.ones((OUT,), dtype=jnp.float32)
    be2 = jnp.zeros((OUT,), dtype=jnp.float32)
    Wp = jax.random.normal(ks[6], (OUT, OUT), dtype=jnp.float32) * 0.05
    bp = jnp.zeros((OUT,), dtype=jnp.float32)
    return {"centers_xyz": centers_xyz, "feats": feats, "points_xyz": points_xyz, "knn_idx": knn_idx,
            "W1": W1, "b1": b1, "g1": g1, "be1": be1, "W2": W2, "b2": b2, "g2": g2, "be2": be2,
            "Wp": Wp, "bp": bp}

def _layernorm(x, g, b):
    mu = jnp.mean(x, axis=-1, keepdims=True)
    var = jnp.var(x, axis=-1, keepdims=True)
    return (x - mu) / jnp.sqrt(var + 1e-5) * g + b

def _gather3(points, idx):
    # points: [B, N, C], idx: [B, M, K] -> [B, M, K, C]
    bidx = jnp.arange(points.shape[0])[:, None, None]
    return points[bidx, idx]

def _gather2(points, idx):
    # points: [B, N, C], idx: [B, M] -> [B, M, C]
    bidx = jnp.arange(points.shape[0])[:, None]
    return points[bidx, idx]

def reference(centers_xyz, feats, points_xyz, knn_idx, W1, b1, g1, be1, W2, b2, g2, be2, Wp, bp):
    neigh_xyz = _gather3(points_xyz, knn_idx)      # [B, M, K, 3]
    neigh_feat = _gather3(feats, knn_idx)          # [B, M, K, F]
    # nearest point index (torch.cdist(...).argmin under no_grad) via squared distances
    cz = jax.lax.stop_gradient(centers_xyz)
    pz = jax.lax.stop_gradient(points_xyz)
    c2 = jnp.sum(cz * cz, axis=-1)[:, :, None]     # [B, M, 1]
    p2 = jnp.sum(pz * pz, axis=-1)[:, None, :]     # [B, 1, N]
    cp = jnp.einsum('bmc,bnc->bmn', cz, pz)        # [B, M, N]
    d2 = c2 + p2 - 2.0 * cp
    nn_idx = jnp.argmin(d2, axis=-1)               # [B, M]
    center_feat = _gather2(feats, nn_idx)          # [B, M, F]
    center_feat_exp = jnp.broadcast_to(center_feat[:, :, None, :], (B, M, K, F))
    pos_delta = neigh_xyz - centers_xyz[:, :, None, :]
    fuse = jnp.concatenate([center_feat_exp, neigh_feat - center_feat_exp, pos_delta], axis=-1)
    h = jax.nn.silu(fuse @ W1 + b1)
    h = _layernorm(h, g1, be1)
    h = jax.nn.silu(h @ W2 + b2)
    h = _layernorm(h, g2, be2)
    h = jnp.mean(h, axis=2)                        # [B, M, OUT]
    return h @ Wp + bp

if __name__ == "__main__":
    import jax
    _d = setup_inputs()
    print(jax.jit(kernel)(*tuple(_d.values())))

</pallas_src>

<mosaic_0001>
#map = affine_map<(d0, d1) -> (0, 0)>
module attributes {stable_mosaic.version = 14 : i64} {
  func.func @k(%arg0: i32, %arg1: i32, %arg2: memref<32x128xi32, #tpu.memory_space<hbm>>, %arg3: memref<65536x64xf32, #tpu.memory_space<hbm>>, %arg4: memref<4096x64xf32, #tpu.memory_space<hbm>>, %arg5: memref<128xi32, #tpu.memory_space<vmem>>, %arg6: memref<128x64xf32, #tpu.memory_space<vmem>>, %arg7: memref<!tpu.dma_semaphore, #tpu.memory_space<semaphore_mem>>) attributes {dimension_semantics = [#tpu.dimension_semantics<core_parallel>, #tpu.dimension_semantics<subcore_parallel>], iteration_bounds = array<i64: 2, 16>, scalar_prefetch = 0 : i64, scratch_operands = 3 : i64, tpu.core_type = #tpu.core_type<sc_vector_subcore>, window_params = [{transform_indices = #map}, {transform_indices = #map}, {transform_indices = #map}]} {
    %mul3A = arith.constant 2 : i32
    %mul3A_0 = arith.muli %arg1, %mul3A : i32
    %add3A = arith.addi %mul3A_0, %arg0 : i32
    "tpu.region"() ({
      %run_scoped3A = tpu.sem_alloc : memref<!tpu.dma_semaphore, #tpu.memory_space<semaphore_mem>>
      %dma_start3A_7 = arith.constant 0 : i32
      %dma_start3A_8 = tpu.memref_slice %arg2[%add3A, %dma_start3A_7] : memref<32x128xi32, #tpu.memory_space<hbm>> -> memref<1x128xi32, #tpu.memory_space<hbm>>
      %dma_start3A_9 = tpu.memref_squeeze %dma_start3A_8 : memref<1x128xi32, #tpu.memory_space<hbm>> -> memref<128xi32, #tpu.memory_space<hbm>>
      %dma_start3A_10 = arith.constant 0 : i32
      %dma_start3A_11 = tpu.memref_slice %arg2[%add3A, %dma_start3A_10] : memref<32x128xi32, #tpu.memory_space<hbm>> -> memref<1x128xi32, #tpu.memory_space<hbm>>
      %dma_start3A_12 = tpu.memref_squeeze %dma_start3A_11 : memref<1x128xi32, #tpu.memory_space<hbm>> -> memref<128xi32, #tpu.memory_space<hbm>>
      tpu.enqueue_dma source(%dma_start3A_12 : memref<128xi32, #tpu.memory_space<hbm>>) target(%arg5 : memref<128xi32, #tpu.memory_space<vmem>>) target_semaphore(%run_scoped3A : memref<!tpu.dma_semaphore, #tpu.memory_space<semaphore_mem>>)
      %dma_wait3A_13 = arith.constant 0 : i32
      %dma_wait3A_14 = tpu.memref_slice %arg2[%add3A, %dma_wait3A_13] : memref<32x128xi32, #tpu.memory_space<hbm>> -> memref<1x128xi32, #tpu.memory_space<hbm>>
      %dma_wait3A_15 = tpu.memref_squeeze %dma_wait3A_14 : memref<1x128xi32, #tpu.memory_space<hbm>> -> memref<128xi32, #tpu.memory_space<hbm>>
      %dma_wait3A_16 = arith.constant 0 : i32
      %dma_wait3A_17 = tpu.memref_slice %arg2[%add3A, %dma_wait3A_16] : memref<32x128xi32, #tpu.memory_space<hbm>> -> memref<1x128xi32, #tpu.memory_space<hbm>>
      %dma_wait3A_18 = tpu.memref_squeeze %dma_wait3A_17 : memref<1x128xi32, #tpu.memory_space<hbm>> -> memref<128xi32, #tpu.memory_space<hbm>>
      tpu.wait_dma2 semaphore(%run_scoped3A : memref<!tpu.dma_semaphore, #tpu.memory_space<semaphore_mem>>) src(%dma_wait3A_18 : memref<128xi32, #tpu.memory_space<hbm>>) dst(%arg5 : memref<128xi32, #tpu.memory_space<vmem>>)
      tpu.yield
    }) : () -> ()
    %dma_start3A = arith.constant 0 : i32
    %dma_start3A_1 = arith.constant 0 : i32
    %dma_start3A_2 = tpu.memref_slice %arg3[%dma_start3A, %dma_start3A_1] : memref<65536x64xf32, #tpu.memory_space<hbm>> -> memref<65536x64xf32, #tpu.memory_space<hbm>>
    tpu.enqueue_indirect_dma source(%dma_start3A_2 : memref<65536x64xf32, #tpu.memory_space<hbm>>) target(%arg6 : memref<128x64xf32, #tpu.memory_space<vmem>>) offsets(%arg5 : memref<128xi32, #tpu.memory_space<vmem>>) semaphore(%arg7 : memref<!tpu.dma_semaphore, #tpu.memory_space<semaphore_mem>>)
    %dma_wait3A = arith.constant 0 : i32
    %dma_wait3A_3 = arith.constant 0 : i32
    %dma_wait3A_4 = tpu.memref_slice %arg3[%dma_wait3A, %dma_wait3A_3] : memref<65536x64xf32, #tpu.memory_space<hbm>> -> memref<65536x64xf32, #tpu.memory_space<hbm>>
    tpu.wait_indirect_dma semaphore(%arg7 : memref<!tpu.dma_semaphore, #tpu.memory_space<semaphore_mem>>) src(%dma_wait3A_4 : memref<65536x64xf32, #tpu.memory_space<hbm>>) dst(%arg6 : memref<128x64xf32, #tpu.memory_space<vmem>>)
    %mul3A_5 = arith.constant 128 : i32
    %mul3A_6 = arith.muli %add3A, %mul3A_5 : i32
    "tpu.region"() ({
      %run_scoped3A = tpu.sem_alloc : memref<!tpu.dma_semaphore, #tpu.memory_space<semaphore_mem>>
      %dma_start3A_7 = arith.constant 0 : i32
      %dma_start3A_8 = tpu.memref_slice %arg4[%mul3A_6, %dma_start3A_7] : memref<4096x64xf32, #tpu.memory_space<hbm>> -> memref<128x64xf32, #tpu.memory_space<hbm>>
      %dma_start3A_9 = arith.constant 0 : i32
      %dma_start3A_10 = tpu.memref_slice %arg4[%mul3A_6, %dma_start3A_9] : memref<4096x64xf32, #tpu.memory_space<hbm>> -> memref<128x64xf32, #tpu.memory_space<hbm>>
      tpu.enqueue_dma source(%arg6 : memref<128x64xf32, #tpu.memory_space<vmem>>) target(%dma_start3A_10 : memref<128x64xf32, #tpu.memory_space<hbm>>) target_semaphore(%run_scoped3A : memref<!tpu.dma_semaphore, #tpu.memory_space<semaphore_mem>>)
      %dma_wait3A_11 = arith.constant 0 : i32
      %dma_wait3A_12 = tpu.memref_slice %arg4[%mul3A_6, %dma_wait3A_11] : memref<4096x64xf32, #tpu.memory_space<hbm>> -> memref<128x64xf32, #tpu.memory_space<hbm>>
      %dma_wait3A_13 = arith.constant 0 : i32
      %dma_wait3A_14 = tpu.memref_slice %arg4[%mul3A_6, %dma_wait3A_13] : memref<4096x64xf32, #tpu.memory_space<hbm>> -> memref<128x64xf32, #tpu.memory_space<hbm>>
      tpu.wait_dma2 semaphore(%run_scoped3A : memref<!tpu.dma_semaphore, #tpu.memory_space<semaphore_mem>>) src(%arg6 : memref<128x64xf32, #tpu.memory_space<vmem>>) dst(%dma_wait3A_14 : memref<128x64xf32, #tpu.memory_space<hbm>>)
      tpu.yield
    }) : () -> ()
    return
  }
}

#map = affine_map<(d0, d1) -> (0, 0)>
module attributes {stable_mosaic.version = 14 : i64} {
  func.func @k(%arg0: i32, %arg1: i32, %arg2: memref<512x128xi32, #tpu.memory_space<hbm>>, %arg3: memref<65536x64xf32, #tpu.memory_space<hbm>>, %arg4: memref<65536x16xf32, #tpu.memory_space<hbm>>, %arg5: memref<65536x64xf32, #tpu.memory_space<hbm>>, %arg6: memref<65536x16xf32, #tpu.memory_space<hbm>>, %arg7: memref<16x128xi32, #tpu.memory_space<vmem>>, %arg8: memref<1024x64xf32, #tpu.memory_space<vmem>>, %arg9: memref<1024x16xf32, #tpu.memory_space<vmem>>, %arg10: memref<!tpu.dma_semaphore, #tpu.memory_space<semaphore_mem>>, %arg11: memref<!tpu.dma_semaphore, #tpu.memory_space<semaphore_mem>>) attributes {dimension_semantics = [#tpu.dimension_semantics<core_parallel>, #tpu.dimension_semantics<subcore_parallel>], iteration_bounds = array<i64: 2, 16>, scalar_prefetch = 0 : i64, scratch_operands = 5 : i64, tpu.core_type = #tpu.core_type<sc_vector_subcore>, window_params = [{transform_indices = #map}, {transform_indices = #map}, {transform_indices = #map}, {transform_indices = #map}, {transform_indices = #map}]} {
    %mul3A = arith.constant 2 : i32
    %mul3A_0 = arith.muli %arg1, %mul3A : i32
    %add3A = arith.addi %mul3A_0, %arg0 : i32
    %mul3A_1 = arith.constant 2048 : i32
    %mul3A_2 = arith.muli %add3A, %mul3A_1 : i32
    %mul3A_3 = arith.constant 16 : i32
    %mul3A_4 = arith.muli %add3A, %mul3A_3 : i32
    "tpu.region"() ({
      %run_scoped3A = tpu.sem_alloc : memref<!tpu.dma_semaphore, #tpu.memory_space<semaphore_mem>>
      %dma_start3A_651 = arith.constant 0 : i32
      %dma_start3A_652 = tpu.memref_slice %arg2[%mul3A_4, %dma_start3A_651] : memref<512x128xi32, #tpu.memory_space<hbm>> -> memref<16x128xi32, #tpu.memory_space<hbm>>
      %dma_start3A_653 = arith.constant 0 : i32
      %dma_start3A_654 = tpu.memref_slice %arg2[%mul3A_4, %dma_start3A_653] : memref<512x128xi32, #tpu.memory_space<hbm>> -> memref<16x128xi32, #tpu.memory_space<hbm>>
      tpu.enqueue_dma source(%dma_start3A_654 : memref<16x128xi32, #tpu.memory_space<hbm>>) target(%arg7 : memref<16x128xi32, #tpu.memory_space<vmem>>) target_semaphore(%run_scoped3A : memref<!tpu.dma_semaphore, #tpu.memory_space<semaphore_mem>>)
      %dma_wait3A_655 = arith.constant 0 : i32
      %dma_wait3A_656 = tpu.memref_slice %arg2[%mul3A_4, %dma_wait3A_655] : memref<512x128xi32, #tpu.memory_space<hbm>> -> memref<16x128xi32, #tpu.memory_space<hbm>>
      %dma_wait3A_657 = arith.constant 0 : i32
      %dma_wait3A_658 = tpu.memref_slice %arg2[%mul3A_4, %dma_wait3A_657] : memref<512x128xi32, #tpu.memory_space<hbm>> -> memref<16x128xi32, #tpu.memory_space<hbm>>
      tpu.wait_dma2 semaphore(%run_scoped3A : memref<!tpu.dma_semaphore, #tpu.memory_space<semaphore_mem>>) src(%dma_wait3A_658 : memref<16x128xi32, #tpu.memory_space<hbm>>) dst(%arg7 : memref<16x128xi32, #tpu.memory_space<vmem>>)
      tpu.yield
    }) : () -> ()
    %dma_start3A = arith.constant 0 : i32
    %dma_start3A_5 = arith.constant 0 : i32
    %dma_start3A_6 = arith.constant 0 : i32
    %dma_start3A_7 = tpu.memref_slice %arg8[%dma_start3A_5, %dma_start3A_6] : memref<1024x64xf32, #tpu.memory_space<vmem>> -> memref<128x64xf32, #tpu.memory_space<vmem>>
    %dma_start3A_8 = arith.constant 0 : i32
    %dma_start3A_9 = tpu.memref_slice %arg7[%dma_start3A, %dma_start3A_8] : memref<16x128xi32, #tpu.memory_space<vmem>> -> memref<1x128xi32, #tpu.memory_space<vmem>>
    %dma_start3A_10 = tpu.memref_squeeze %dma_start3A_9 : memref<1x128xi32, #tpu.memory_space<vmem>> -> memref<128xi32, #tpu.memory_space<vmem>>
    %dma_start3A_11 = arith.constant 0 : i32
    %dma_start3A_12 = arith.constant 0 : i32
    %dma_start3A_13 = tpu.memref_slice %arg3[%dma_start3A_11, %dma_start3A_12] : memref<65536x64xf32, #tpu.memory_space<hbm>> -> memref<65536x64xf32, #tpu.memory_space<hbm>>
    tpu.enqueue_indirect_dma source(%dma_start3A_13 : memref<65536x64xf32, #tpu.memory_space<hbm>>) target(%dma_start3A_7 : memref<128x64xf32, #tpu.memory_space<vmem>>) offsets(%dma_start3A_10 : memref<128xi32, #tpu.memory_space<vmem>>) semaphore(%arg10 : memref<!tpu.dma_semaphore, #tpu.memory_space<semaphore_mem>>)
    %dma_start3A_14 = arith.constant 0 : i32
    %dma_start3A_15 = arith.constant 0 : i32
    %dma_start3A_16 = arith.constant 0 : i32
    %dma_start3A_17 = tpu.memref_slice %arg9[%dma_start3A_15, %dma_start3A_16] : memref<1024x16xf32, #tpu.memory_space<vmem>> -> memref<128x16xf32, #tpu.memory_space<vmem>>
    %dma_start3A_18 = arith.constant 0 : i32
    %dma_start3A_19 = tpu.memref_slice %arg7[%dma_start3A_14, %dma_start3A_18] : memref<16x128xi32, #tpu.memory_space<vmem>> -> memref<1x128xi32, #tpu.memory_space<vmem>>
    %dma_start3A_20 = tpu.memref_squeeze %dma_start3A_19 : memref<1x128xi32, #tpu.memory_space<vmem>> -> memref<128xi32, #tpu.memory_space<vmem>>
    %dma_start3A_21 = arith.constant 0 : i32
    %dma_start3A_22 = arith.constant 0 : i32
    %dma_start3A_23 = tpu.memref_slice %arg4[%dma_start3A_21, %dma_start3A_22] : memref<65536x16xf32, #tpu.memory_space<hbm>> -> memref<65536x16xf32, #tpu.memory_space<hbm>>
    tpu.enqueue_indirect_dma source(%dma_start3A_23 : memref<65536x16xf32, #tpu.memory_space<hbm>>) target(%dma_start3A_17 : memref<128x16xf32, #tpu.memory_space<vmem>>) offsets(%dma_start3A_20 : memref<128xi32, #tpu.memory_space<vmem>>) semaphore(%arg11 : memref<!tpu.dma_semaphore, #tpu.memory_space<semaphore_mem>>)
    %dma_start3A_24 = arith.constant 1 : i32
    %dma_start3A_25 = arith.constant 128 : i32
    %dma_start3A_26 = arith.constant 0 : i32
    %dma_start3A_27 = tpu.memref_slice %arg8[%dma_start3A_25, %dma_start3A_26] : memref<1024x64xf32, #tpu.memory_space<vmem>> -> memref<128x64xf32, #tpu.memory_space<vmem>>
    %dma_start3A_28 = arith.constant 0 : i32
    %dma_start3A_29 = tpu.memref_slice %arg7[%dma_start3A_24, %dma_start3A_28] : memref<16x128xi32, #tpu.memory_space<vmem>> -> memref<1x128xi32, #tpu.memory_space<vmem>>
    %dma_start3A_30 = tpu.memref_squeeze %dma_start3A_29 : memref<1x128xi32, #tpu.memory_space<vmem>> -> memref<128xi32, #tpu.memory_space<vmem>>
    %dma_start3A_31 = arith.constant 0 : i32
    %dma_start3A_32 = arith.constant 0 : i32
    %dma_start3A_33 = tpu.memref_slice %arg3[%dma_start3A_31, %dma_start3A_32] : memref<65536x64xf32, #tpu.memory_space<hbm>> -> memref<65536x64xf32, #tpu.memory_space<hbm>>
    tpu.enqueue_indirect_dma source(%dma_start3A_33 : memref<65536x64xf32, #tpu.memory_space<hbm>>) target(%dma_start3A_27 : memref<128x64xf32, #tpu.memory_space<vmem>>) offsets(%dma_start3A_30 : memref<128xi32, #tpu.memory_space<vmem>>) semaphore(%arg10 : memref<!tpu.dma_semaphore, #tpu.memory_space<semaphore_mem>>)
    %dma_start3A_34 = arith.constant 1 : i32
    %dma_start3A_35 = arith.constant 128 : i32
    %dma_start3A_36 = arith.constant 0 : i32
    %dma_start3A_37 = tpu.memref_slice %arg9[%dma_start3A_35, %dma_start3A_36] : memref<1024x16xf32, #tpu.memory_space<vmem>> -> memref<128x16xf32, #tpu.memory_space<vmem>>
    %dma_start3A_38 = arith.constant 0 : i32
    %dma_start3A_39 = tpu.memref_slice %arg7[%dma_start3A_34, %dma_start3A_38] : memref<16x128xi32, #tpu.memory_space<vmem>> -> memref<1x128xi32, #tpu.memory_space<vmem>>
    %dma_start3A_40 = tpu.memref_squeeze %dma_start3A_39 : memref<1x128xi32, #tpu.memory_space<vmem>> -> memref<128xi32, #tpu.memory_space<vmem>>
    %dma_start3A_41 = arith.constant 0 : i32
    %dma_start3A_42 = arith.constant 0 : i32
    %dma_start3A_43 = tpu.memref_slice %arg4[%dma_start3A_41, %dma_start3A_42] : memref<65536x16xf32, #tpu.memory_space<hbm>> -> memref<65536x16xf32, #tpu.memory_space<hbm>>
    tpu.enqueue_indirect_dma source(%dma_start3A_43 : memref<65536x16xf32, #tpu.memory_space<hbm>>) target(%dma_start3A_37 : memref<128x16xf32, #tpu.memory_space<vmem>>) offsets(%dma_start3A_40 : memref<128xi32, #tpu.memory_space<vmem>>) semaphore(%arg11 : memref<!tpu.dma_semaphore, #tpu.memory_space<semaphore_mem>>)
    %dma_start3A_44 = arith.constant 2 : i32
    %dma_start3A_45 = arith.constant 256 : i32
    %dma_start3A_46 = arith.constant 0 : i32
    %dma_start3A_47 = tpu.memref_slice %arg8[%dma_start3A_45, %dma_start3A_46] : memref<1024x64xf32, #tpu.memory_space<vmem>> -> memref<128x64xf32, #tpu.memory_space<vmem>>
    %dma_start3A_48 = arith.constant 0 : i32
    %dma_start3A_49 = tpu.memref_slice %arg7[%dma_start3A_44, %dma_start3A_48] : memref<16x128xi32, #tpu.memory_space<vmem>> -> memref<1x128xi32, #tpu.memory_space<vmem>>
    %dma_start3A_50 = tpu.memref_squeeze %dma_start3A_49 : memref<1x128xi32, #tpu.memory_space<vmem>> -> memref<128xi32, #tpu.memory_space<vmem>>
    %dma_start3A_51 = arith.constant 0 : i32
    %dma_start3A_52 = arith.constant 0 : i32
    %dma_start3A_53 = tpu.memref_slice %arg3[%dma_start3A_51, %dma_start3A_52] : memref<65536x64xf32, #tpu.memory_space<hbm>> -> memref<65536x64xf32, #tpu.memory_space<hbm>>
    tpu.enqueue_indirect_dma source(%dma_start3A_53 : memref<65536x64xf32, #tpu.memory_space<hbm>>) target(%dma_start3A_47 : memref<128x64xf32, #tpu.memory_space<vmem>>) offsets(%dma_start3A_50 : memref<128xi32, #tpu.memory_space<vmem>>) semaphore(%arg10 : memref<!tpu.dma_semaphore, #tpu.memory_space<semaphore_mem>>)
    %dma_start3A_54 = arith.constant 2 : i32
    %dma_start3A_55 = arith.constant 256 : i32
    %dma_start3A_56 = arith.constant 0 : i32
    %dma_start3A_57 = tpu.memref_slice %arg9[%dma_start3A_55, %dma_start3A_56] : memref<1024x16xf32, #tpu.memory_space<vmem>> -> memref<128x16xf32, #tpu.memory_space<vmem>>
    %dma_start3A_58 = arith.constant 0 : i32
    %dma_start3A_59 = tpu.memref_slice %arg7[%dma_start3A_54, %dma_start3A_58] : memref<16x128xi32, #tpu.memory_space<vmem>> -> memref<1x128xi32, #tpu.memory_space<vmem>>
    %dma_start3A_60 = tpu.memref_squeeze %dma_start3A_59 : memref<1x128xi32, #tpu.memory_space<vmem>> -> memref<128xi32, #tpu.memory_space<vmem>>
    %dma_start3A_61 = arith.constant 0 : i32
    %dma_start3A_62 = arith.constant 0 : i32
    %dma_start3A_63 = tpu.memref_slice %arg4[%dma_start3A_61, %dma_start3A_62] : memref<65536x16xf32, #tpu.memory_space<hbm>> -> memref<65536x16xf32, #tpu.memory_space<hbm>>
    tpu.enqueue_indirect_dma source(%dma_start3A_63 : memref<65536x16xf32, #tpu.memory_space<hbm>>) target(%dma_start3A_57 : memref<128x16xf32, #tpu.memory_space<vmem>>) offsets(%dma_start3A_60 : memref<128xi32, #tpu.memory_space<vmem>>) semaphore(%arg11 : memref<!tpu.dma_semaphore, #tpu.memory_space<semaphore_mem>>)
    %dma_start3A_64 = arith.constant 3 : i32
    %dma_start3A_65 = arith.constant 384 : i32
    %dma_start3A_66 = arith.constant 0 : i32
    %dma_start3A_67 = tpu.memref_slice %arg8[%dma_start3A_65, %dma_start3A_66] : memref<1024x64xf32, #tpu.memory_space<vmem>> -> memref<128x64xf32, #tpu.memory_space<vmem>>
    %dma_start3A_68 = arith.constant 0 : i32
    %dma_start3A_69 = tpu.memref_slice %arg7[%dma_start3A_64, %dma_start3A_68] : memref<16x128xi32, #tpu.memory_space<vmem>> -> memref<1x128xi32, #tpu.memory_space<vmem>>
    %dma_start3A_70 = tpu.memref_squeeze %dma_start3A_69 : memref<1x128xi32, #tpu.memory_space<vmem>> -> memref<128xi32, #tpu.memory_space<vmem>>
    %dma_start3A_71 = arith.constant 0 : i32
    %dma_start3A_72 = arith.constant 0 : i32
    %dma_start3A_73 = tpu.memref_slice %arg3[%dma_start3A_71, %dma_start3A_72] : memref<65536x64xf32, #tpu.memory_space<hbm>> -> memref<65536x64xf32, #tpu.memory_space<hbm>>
    tpu.enqueue_indirect_dma source(%dma_start3A_73 : memref<65536x64xf32, #tpu.memory_space<hbm>>) target(%dma_start3A_67 : memref<128x64xf32, #tpu.memory_space<vmem>>) offsets(%dma_start3A_70 : memref<128xi32, #tpu.memory_space<vmem>>) semaphore(%arg10 : memref<!tpu.dma_semaphore, #tpu.memory_space<semaphore_mem>>)
    %dma_start3A_74 = arith.constant 3 : i32
    %dma_start3A_75 = arith.constant 384 : i32
    %dma_start3A_76 = arith.constant 0 : i32
    %dma_start3A_77 = tpu.memref_slice %arg9[%dma_start3A_75, %dma_start3A_76] : memref<1024x16xf32, #tpu.memory_space<vmem>> -> memref<128x16xf32, #tpu.memory_space<vmem>>
    %dma_start3A_78 = arith.constant 0 : i32
    %dma_start3A_79 = tpu.memref_slice %arg7[%dma_start3A_74, %dma_start3A_78] : memref<16x128xi32, #tpu.memory_space<vmem>> -> memref<1x128xi32, #tpu.memory_space<vmem>>
    %dma_start3A_80 = tpu.memref_squeeze %dma_start3A_79 : memref<1x128xi32, #tpu.memory_space<vmem>> -> memref<128xi32, #tpu.memory_space<vmem>>
    %dma_start3A_81 = arith.constant 0 : i32
    %dma_start3A_82 = arith.constant 0 : i32
    %dma_start3A_83 = tpu.memref_slice %arg4[%dma_start3A_81, %dma_start3A_82] : memref<65536x16xf32, #tpu.memory_space<hbm>> -> memref<65536x16xf32, #tpu.memory_space<hbm>>
    tpu.enqueue_indirect_dma source(%dma_start3A_83 : memref<65536x16xf32, #tpu.memory_space<hbm>>) target(%dma_start3A_77 : memref<128x16xf32, #tpu.memory_space<vmem>>) offsets(%dma_start3A_80 : memref<128xi32, #tpu.memory_space<vmem>>) semaphore(%arg11 : memref<!tpu.dma_semaphore, #tpu.memory_space<semaphore_mem>>)
    %dma_start3A_84 = arith.constant 4 : i32
    %dma_start3A_85 = arith.constant 512 : i32
    %dma_start3A_86 = arith.constant 0 : i32
    %dma_start3A_87 = tpu.memref_slice %arg8[%dma_start3A_85, %dma_start3A_86] : memref<1024x64xf32, #tpu.memory_space<vmem>> -> memref<128x64xf32, #tpu.memory_space<vmem>>
    %dma_start3A_88 = arith.constant 0 : i32
    %dma_start3A_89 = tpu.memref_slice %arg7[%dma_start3A_84, %dma_start3A_88] : memref<16x128xi32, #tpu.memory_space<vmem>> -> memref<1x128xi32, #tpu.memory_space<vmem>>
    %dma_start3A_90 = tpu.memref_squeeze %dma_start3A_89 : memref<1x128xi32, #tpu.memory_space<vmem>> -> memref<128xi32, #tpu.memory_space<vmem>>
    %dma_start3A_91 = arith.constant 0 : i32
    %dma_start3A_92 = arith.constant 0 : i32
    %dma_start3A_93 = tpu.memref_slice %arg3[%dma_start3A_91, %dma_start3A_92] : memref<65536x64xf32, #tpu.memory_space<hbm>> -> memref<65536x64xf32, #tpu.memory_space<hbm>>
    tpu.enqueue_indirect_dma source(%dma_start3A_93 : memref<65536x64xf32, #tpu.memory_space<hbm>>) target(%dma_start3A_87 : memref<128x64xf32, #tpu.memory_space<vmem>>) offsets(%dma_start3A_90 : memref<128xi32, #tpu.memory_space<vmem>>) semaphore(%arg10 : memref<!tpu.dma_semaphore, #tpu.memory_space<semaphore_mem>>)
    %dma_start3A_94 = arith.constant 4 : i32
    %dma_start3A_95 = arith.constant 512 : i32
    %dma_start3A_96 = arith.constant 0 : i32
    %dma_start3A_97 = tpu.memref_slice %arg9[%dma_start3A_95, %dma_start3A_96] : memref<1024x16xf32, #tpu.memory_space<vmem>> -> memref<128x16xf32, #tpu.memory_space<vmem>>
    %dma_start3A_98 = arith.constant 0 : i32
    %dma_start3A_99 = tpu.memref_slice %arg7[%dma_start3A_94, %dma_start3A_98] : memref<16x128xi32, #tpu.memory_space<vmem>> -> memref<1x128xi32, #tpu.memory_space<vmem>>
    %dma_start3A_100 = tpu.memref_squeeze %dma_start3A_99 : memref<1x128xi32, #tpu.memory_space<vmem>> -> memref<128xi32, #tpu.memory_space<vmem>>
    %dma_start3A_101 = arith.constant 0 : i32
    %dma_start3A_102 = arith.constant 0 : i32
    %dma_start3A_103 = tpu.memref_slice %arg4[%dma_start3A_101, %dma_start3A_102] : memref<65536x16xf32, #tpu.memory_space<hbm>> -> memref<65536x16xf32, #tpu.memory_space<hbm>>
    tpu.enqueue_indirect_dma source(%dma_start3A_103 : memref<65536x16xf32, #tpu.memory_space<hbm>>) target(%dma_start3A_97 : memref<128x16xf32, #tpu.memory_space<vmem>>) offsets(%dma_start3A_100 : memref<128xi32, #tpu.memory_space<vmem>>) semaphore(%arg11 : memref<!tpu.dma_semaphore, #tpu.memory_space<semaphore_mem>>)
    %dma_start3A_104 = arith.constant 5 : i32
    %dma_start3A_105 = arith.constant 640 : i32
    %dma_start3A_106 = arith.constant 0 : i32
    %dma_start3A_107 = tpu.memref_slice %arg8[%dma_start3A_105, %dma_start3A_106] : memref<1024x64xf32, #tpu.memory_space<vmem>> -> memref<128x64xf32, #tpu.memory_space<vmem>>
    %dma_start3A_108 = arith.constant 0 : i32
    %dma_start3A_109 = tpu.memref_slice %arg7[%dma_start3A_104, %dma_start3A_108] : memref<16x128xi32, #tpu.memory_space<vmem>> -> memref<1x128xi32, #tpu.memory_space<vmem>>
    %dma_start3A_110 = tpu.memref_squeeze %dma_start3A_109 : memref<1x128xi32, #tpu.memory_space<vmem>> -> memref<128xi32, #tpu.memory_space<vmem>>
    %dma_start3A_111 = arith.constant 0 : i32
    %dma_start3A_112 = arith.constant 0 : i32
    %dma_start3A_113 = tpu.memref_slice %arg3[%dma_start3A_111, %dma_start3A_112] : memref<65536x64xf32, #tpu.memory_space<hbm>> -> memref<65536x64xf32, #tpu.memory_space<hbm>>
    tpu.enqueue_indirect_dma source(%dma_start3A_113 : memref<65536x64xf32, #tpu.memory_space<hbm>>) target(%dma_start3A_107 : memref<128x64xf32, #tpu.memory_space<vmem>>) offsets(%dma_start3A_110 : memref<128xi32, #tpu.memory_space<vmem>>) semaphore(%arg10 : memref<!tpu.dma_semaphore, #tpu.memory_space<semaphore_mem>>)
    %dma_start3A_114 = arith.constant 5 : i32
    %dma_start3A_115 = arith.constant 640 : i32
    %dma_start3A_116 = arith.constant 0 : i32
    %dma_start3A_117 = tpu.memref_slice %arg9[%dma_start3A_115, %dma_start3A_116] : memref<1024x16xf32, #tpu.memory_space<vmem>> -> memref<128x16xf32, #tpu.memory_space<vmem>>
    %dma_start3A_118 = arith.constant 0 : i32
    %dma_start3A_119 = tpu.memref_slice %arg7[%dma_start3A_114, %dma_start3A_118] : memref<16x128xi32, #tpu.memory_space<vmem>> -> memref<1x128xi32, #tpu.memory_space<vmem>>
    %dma_start3A_120 = tpu.memref_squeeze %dma_start3A_119 : memref<1x128xi32, #tpu.memory_space<vmem>> -> memref<128xi32, #tpu.memory_space<vmem>>
    %dma_start3A_121 = arith.constant 0 : i32
    %dma_start3A_122 = arith.constant 0 : i32
    %dma_start3A_123 = tpu.memref_slice %arg4[%dma_start3A_121, %dma_start3A_122] : memref<65536x16xf32, #tpu.memory_space<hbm>> -> memref<65536x16xf32, #tpu.memory_space<hbm>>
    tpu.enqueue_indirect_dma source(%dma_start3A_123 : memref<65536x16xf32, #tpu.memory_space<hbm>>) target(%dma_start3A_117 : memref<128x16xf32, #tpu.memory_space<vmem>>) offsets(%dma_start3A_120 : memref<128xi32, #tpu.memory_space<vmem>>) semaphore(%arg11 : memref<!tpu.dma_semaphore, #tpu.memory_space<semaphore_mem>>)
    %dma_start3A_124 = arith.constant 6 : i32
    %dma_start3A_125 = arith.constant 768 : i32
    %dma_start3A_126 = arith.constant 0 : i32
    %dma_start3A_127 = tpu.memref_slice %arg8[%dma_start3A_125, %dma_start3A_126] : memref<1024x64xf32, #tpu.memory_space<vmem>> -> memref<128x64xf32, #tpu.memory_space<vmem>>
    %dma_start3A_128 = arith.constant 0 : i32
    %dma_start3A_129 = tpu.memref_slice %arg7[%dma_start3A_124, %dma_start3A_128] : memref<16x128xi32, #tpu.memory_space<vmem>> -> memref<1x128xi32, #tpu.memory_space<vmem>>
    %dma_start3A_130 = tpu.memref_squeeze %dma_start3A_129 : memref<1x128xi32, #tpu.memory_space<vmem>> -> memref<128xi32, #tpu.memory_space<vmem>>
    %dma_start3A_131 = arith.constant 0 : i32
    %dma_start3A_132 = arith.constant 0 : i32
    %dma_start3A_133 = tpu.memref_slice %arg3[%dma_start3A_131, %dma_start3A_132] : memref<65536x64xf32, #tpu.memory_space<hbm>> -> memref<65536x64xf32, #tpu.memory_space<hbm>>
    tpu.enqueue_indirect_dma source(%dma_start3A_133 : memref<65536x64xf32, #tpu.memory_space<hbm>>) target(%dma_start3A_127 : memref<128x64xf32, #tpu.memory_space<vmem>>) offsets(%dma_start3A_130 : memref<128xi32, #tpu.memory_space<vmem>>) semaphore(%arg10 : memref<!tpu.dma_semaphore, #tpu.memory_space<semaphore_mem>>)
    %dma_start3A_134 = arith.constant 6 : i32
    %dma_start3A_135 = arith.constant 768 : i32
    %dma_start3A_136 = arith.constant 0 : i32
    %dma_start3A_137 = tpu.memref_slice %arg9[%dma_start3A_135, %dma_start3A_136] : memref<1024x16xf32, #tpu.memory_space<vmem>> -> memref<128x16xf32, #tpu.memory_space<vmem>>
    %dma_start3A_138 = arith.constant 0 : i32
    %dma_start3A_139 = tpu.memref_slice %arg7[%dma_start3A_134, %dma_start3A_138] : memref<16x128xi32, #tpu.memory_space<vmem>> -> memref<1x128xi32, #tpu.memory_space<vmem>>
    %dma_start3A_140 = tpu.memref_squeeze %dma_start3A_139 : memref<1x128xi32, #tpu.memory_space<vmem>> -> memref<128xi32, #tpu.memory_space<vmem>>
    %dma_start3A_141 = arith.constant 0 : i32
    %dma_start3A_142 = arith.constant 0 : i32
    %dma_start3A_143 = tpu.memref_slice %arg4[%dma_start3A_141, %dma_start3A_142] : memref<65536x16xf32, #tpu.memory_space<hbm>> -> memref<65536x16xf32, #tpu.memory_space<hbm>>
    tpu.enqueue_indirect_dma source(%dma_start3A_143 : memref<65536x16xf32, #tpu.memory_space<hbm>>) target(%dma_start3A_137 : memref<128x16xf32, #tpu.memory_space<vmem>>) offsets(%dma_start3A_140 : memref<128xi32, #tpu.memory_space<vmem>>) semaphore(%arg11 : memref<!tpu.dma_semaphore, #tpu.memory_space<semaphore_mem>>)
    %dma_start3A_144 = arith.constant 7 : i32
    %dma_start3A_145 = arith.constant 896 : i32
    %dma_start3A_146 = arith.constant 0 : i32
    %dma_start3A_147 = tpu.memref_slice %arg8[%dma_start3A_145, %dma_start3A_146] : memref<1024x64xf32, #tpu.memory_space<vmem>> -> memref<128x64xf32, #tpu.memory_space<vmem>>
    %dma_start3A_148 = arith.constant 0 : i32
    %dma_start3A_149 = tpu.memref_slice %arg7[%dma_start3A_144, %dma_start3A_148] : memref<16x128xi32, #tpu.memory_space<vmem>> -> memref<1x128xi32, #tpu.memory_space<vmem>>
    %dma_start3A_150 = tpu.memref_squeeze %dma_start3A_149 : memref<1x128xi32, #tpu.memory_space<vmem>> -> memref<128xi32, #tpu.memory_space<vmem>>
    %dma_start3A_151 = arith.constant 0 : i32
    %dma_start3A_152 = arith.constant 0 : i32
    %dma_start3A_153 = tpu.memref_slice %arg3[%dma_start3A_151, %dma_start3A_152] : memref<65536x64xf32, #tpu.memory_space<hbm>> -> memref<65536x64xf32, #tpu.memory_space<hbm>>
    tpu.enqueue_indirect_dma source(%dma_start3A_153 : memref<65536x64xf32, #tpu.memory_space<hbm>>) target(%dma_start3A_147 : memref<128x64xf32, #tpu.memory_space<vmem>>) offsets(%dma_start3A_150 : memref<128xi32, #tpu.memory_space<vmem>>) semaphore(%arg10 : memref<!tpu.dma_semaphore, #tpu.memory_space<semaphore_mem>>)
    %dma_start3A_154 = arith.constant 7 : i32
    %dma_start3A_155 = arith.constant 896 : i32
    %dma_start3A_156 = arith.constant 0 : i32
    %dma_start3A_157 = tpu.memref_slice %arg9[%dma_start3A_155, %dma_start3A_156] : memref<1024x16xf32, #tpu.memory_space<vmem>> -> memref<128x16xf32, #tpu.memory_space<vmem>>
    %dma_start3A_158 = arith.constant 0 : i32
    %dma_start3A_159 = tpu.memref_slice %arg7[%dma_start3A_154, %dma_start3A_158] : memref<16x128xi32, #tpu.memory_space<vmem>> -> memref<1x128xi32, #tpu.memory_space<vmem>>
    %dma_start3A_160 = tpu.memref_squeeze %dma_start3A_159 : memref<1x128xi32, #tpu.memory_space<vmem>> -> memref<128xi32, #tpu.memory_space<vmem>>
    %dma_start3A_161 = arith.constant 0 : i32
    %dma_start3A_162 = arith.constant 0 : i32
    %dma_start3A_163 = tpu.memref_slice %arg4[%dma_start3A_161, %dma_start3A_162] : memref<65536x16xf32, #tpu.memory_space<hbm>> -> memref<65536x16xf32, #tpu.memory_space<hbm>>
    tpu.enqueue_indirect_dma source(%dma_start3A_163 : memref<65536x16xf32, #tpu.memory_space<hbm>>) target(%dma_start3A_157 : memref<128x16xf32, #tpu.memory_space<vmem>>) offsets(%dma_start3A_160 : memref<128xi32, #tpu.memory_space<vmem>>) semaphore(%arg11 : memref<!tpu.dma_semaphore, #tpu.memory_space<semaphore_mem>>)
    %dma_wait3A = arith.constant 0 : i32
    %dma_wait3A_164 = arith.constant 0 : i32
    %dma_wait3A_165 = arith.constant 0 : i32
    %dma_wait3A_166 = tpu.memref_slice %arg8[%dma_wait3A_164, %dma_wait3A_165] : memref<1024x64xf32, #tpu.memory_space<vmem>> -> memref<128x64xf32, #tpu.memory_space<vmem>>
    %dma_wait3A_167 = arith.constant 0 : i32
    %dma_wait3A_168 = tpu.memref_slice %arg7[%dma_wait3A, %dma_wait3A_167] : memref<16x128xi32, #tpu.memory_space<vmem>> -> memref<1x128xi32, #tpu.memory_space<vmem>>
    %dma_wait3A_169 = tpu.memref_squeeze %dma_wait3A_168 : memref<1x128xi32, #tpu.memory_space<vmem>> -> memref<128xi32, #tpu.memory_space<vmem>>
    %dma_wait3A_170 = arith.constant 0 : i32
    %dma_wait3A_171 = arith.constant 0 : i32
    %dma_wait3A_172 = tpu.memref_slice %arg3[%dma_wait3A_170, %dma_wait3A_171] : memref<65536x64xf32, #tpu.memory_space<hbm>> -> memref<65536x64xf32, #tpu.memory_space<hbm>>
    tpu.wait_indirect_dma semaphore(%arg10 : memref<!tpu.dma_semaphore, #tpu.memory_space<semaphore_mem>>) src(%dma_wait3A_172 : memref<65536x64xf32, #tpu.memory_space<hbm>>) dst(%dma_wait3A_166 : memref<128x64xf32, #tpu.memory_space<vmem>>)
    %dma_wait3A_173 = arith.constant 0 : i32
    %dma_wait3A_174 = arith.constant 0 : i32
    %dma_wait3A_175 = arith.constant 0 : i32
    %dma_wait3A_176 = tpu.memref_slice %arg9[%dma_wait3A_174, %dma_wait3A_175] : memref<1024x16xf32, #tpu.memory_space<vmem>> -> memref<128x16xf32, #tpu.memory_space<vmem>>
    %dma_wait3A_177 = arith.constant 0 : i32
    %dma_wait3A_178 = tpu.memref_slice %arg7[%dma_wait3A_173, %dma_wait3A_177] : memref<16x128xi32, #tpu.memory_space<vmem>> -> memref<1x128xi32, #tpu.memory_space<vmem>>
    %dma_wait3A_179 = tpu.memref_squeeze %dma_wait3A_178 : memref<1x128xi32, #tpu.memory_space<vmem>> -> memref<128xi32, #tpu.memory_space<vmem>>
    %dma_wait3A_180 = arith.constant 0 : i32
    %dma_wait3A_181 = arith.constant 0 : i32
    %dma_wait3A_182 = tpu.memref_slice %arg4[%dma_wait3A_180, %dma_wait3A_181] : memref<65536x16xf32, #tpu.memory_space<hbm>> -> memref<65536x16xf32, #tpu.memory_space<hbm>>
    tpu.wait_indirect_dma semaphore(%arg11 : memref<!tpu.dma_semaphore, #tpu.memory_space<semaphore_mem>>) src(%dma_wait3A_182 : memref<65536x16xf32, #tpu.memory_space<hbm>>) dst(%dma_wait3A_176 : memref<128x16xf32, #tpu.memory_space<vmem>>)
    %dma_wait3A_183 = arith.constant 1 : i32
    %dma_wait3A_184 = arith.constant 128 : i32
    %dma_wait3A_185 = arith.constant 0 : i32
    %dma_wait3A_186 = tpu.memref_slice %arg8[%dma_wait3A_184, %dma_wait3A_185] : memref<1024x64xf32, #tpu.memory_space<vmem>> -> memref<128x64xf32, #tpu.memory_space<vmem>>
    %dma_wait3A_187 = arith.constant 0 : i32
    %dma_wait3A_188 = tpu.memref_slice %arg7[%dma_wait3A_183, %dma_wait3A_187] : memref<16x128xi32, #tpu.memory_space<vmem>> -> memref<1x128xi32, #tpu.memory_space<vmem>>
    %dma_wait3A_189 = tpu.memref_squeeze %dma_wait3A_188 : memref<1x128xi32, #tpu.memory_space<vmem>> -> memref<128xi32, #tpu.memory_space<vmem>>
    %dma_wait3A_190 = arith.constant 0 : i32
    %dma_wait3A_191 = arith.constant 0 : i32
    %dma_wait3A_192 = tpu.memref_slice %arg3[%dma_wait3A_190, %dma_wait3A_191] : memref<65536x64xf32, #tpu.memory_space<hbm>> -> memref<65536x64xf32, #tpu.memory_space<hbm>>
    tpu.wait_indirect_dma semaphore(%arg10 : memref<!tpu.dma_semaphore, #tpu.memory_space<semaphore_mem>>) src(%dma_wait3A_192 : memref<65536x64xf32, #tpu.memory_space<hbm>>) dst(%dma_wait3A_186 : memref<128x64xf32, #tpu.memory_space<vmem>>)
    %dma_wait3A_193 = arith.constant 1 : i32
    %dma_wait3A_194 = arith.constant 128 : i32
    %dma_wait3A_195 = arith.constant 0 : i32
    %dma_wait3A_196 = tpu.memref_slice %arg9[%dma_wait3A_194, %dma_wait3A_195] : memref<1024x16xf32, #tpu.memory_space<vmem>> -> memref<128x16xf32, #tpu.memory_space<vmem>>
    %dma_wait3A_197 = arith.constant 0 : i32
    %dma_wait3A_198 = tpu.memref_slice %arg7[%dma_wait3A_193, %dma_wait3A_197] : memref<16x128xi32, #tpu.memory_space<vmem>> -> memref<1x128xi32, #tpu.memory_space<vmem>>
    %dma_wait3A_199 = tpu.memref_squeeze %dma_wait3A_198 : memref<1x128xi32, #tpu.memory_space<vmem>> -> memref<128xi32, #tpu.memory_space<vmem>>
    %dma_wait3A_200 = arith.constant 0 : i32
    %dma_wait3A_201 = arith.constant 0 : i32
    %dma_wait3A_202 = tpu.memref_slice %arg4[%dma_wait3A_200, %dma_wait3A_201] : memref<65536x16xf32, #tpu.memory_space<hbm>> -> memref<65536x16xf32, #tpu.memory_space<hbm>>
    tpu.wait_indirect_dma semaphore(%arg11 : memref<!tpu.dma_semaphore, #tpu.memory_space<semaphore_mem>>) src(%dma_wait3A_202 : memref<65536x16xf32, #tpu.memory_space<hbm>>) dst(%dma_wait3A_196 : memref<128x16xf32, #tpu.memory_space<vmem>>)
    %dma_wait3A_203 = arith.constant 2 : i32
    %dma_wait3A_204 = arith.constant 256 : i32
    %dma_wait3A_205 = arith.constant 0 : i32
    %dma_wait3A_206 = tpu.memref_slice %arg8[%dma_wait3A_204, %dma_wait3A_205] : memref<1024x64xf32, #tpu.memory_space<vmem>> -> memref<128x64xf32, #tpu.memory_space<vmem>>
    %dma_wait3A_207 = arith.constant 0 : i32
    %dma_wait3A_208 = tpu.memref_slice %arg7[%dma_wait3A_203, %dma_wait3A_207] : memref<16x128xi32, #tpu.memory_space<vmem>> -> memref<1x128xi32, #tpu.memory_space<vmem>>
    %dma_wait3A_209 = tpu.memref_squeeze %dma_wait3A_208 : memref<1x128xi32, #tpu.memory_space<vmem>> -> memref<128xi32, #tpu.memory_space<vmem>>
    %dma_wait3A_210 = arith.constant 0 : i32
    %dma_wait3A_211 = arith.constant 0 : i32
    %dma_wait3A_212 = tpu.memref_slice %arg3[%dma_wait3A_210, %dma_wait3A_211] : memref<65536x64xf32, #tpu.memory_space<hbm>> -> memref<65536x64xf32, #tpu.memory_space<hbm>>
    tpu.wait_indirect_dma semaphore(%arg10 : memref<!tpu.dma_semaphore, #tpu.memory_space<semaphore_mem>>) src(%dma_wait3A_212 : memref<65536x64xf32, #tpu.memory_space<hbm>>) dst(%dma_wait3A_206 : memref<128x64xf32, #tpu.memory_space<vmem>>)
    %dma_wait3A_213 = arith.constant 2 : i32
    %dma_wait3A_214 = arith.constant 256 : i32
    %dma_wait3A_215 = arith.constant 0 : i32
    %dma_wait3A_216 = tpu.memref_slice %arg9[%dma_wait3A_214, %dma_wait3A_215] : memref<1024x16xf32, #tpu.memory_space<vmem>> -> memref<128x16xf32, #tpu.memory_space<vmem>>
    %dma_wait3A_217 = arith.constant 0 : i32
    %dma_wait3A_218 = tpu.memref_slice %arg7[%dma_wait3A_213, %dma_wait3A_217] : memref<16x128xi32, #tpu.memory_space<vmem>> -> memref<1x128xi32, #tpu.memory_space<vmem>>
    %dma_wait3A_219 = tpu.memref_squeeze %dma_wait3A_218 : memref<1x128xi32, #tpu.memory_space<vmem>> -> memref<128xi32, #tpu.memory_space<vmem>>
    %dma_wait3A_220 = arith.constant 0 : i32
    %dma_wait3A_221 = arith.constant 0 : i32
    %dma_wait3A_222 = tpu.memref_slice %arg4[%dma_wait3A_220, %dma_wait3A_221] : memref<65536x16xf32, #tpu.memory_space<hbm>> -> memref<65536x16xf32, #tpu.memory_space<hbm>>
    tpu.wait_indirect_dma semaphore(%arg11 : memref<!tpu.dma_semaphore, #tpu.memory_space<semaphore_mem>>) src(%dma_wait3A_222 : memref<65536x16xf32, #tpu.memory_space<hbm>>) dst(%dma_wait3A_216 : memref<128x16xf32, #tpu.memory_space<vmem>>)
    %dma_wait3A_223 = arith.constant 3 : i32
    %dma_wait3A_224 = arith.constant 384 : i32
    %dma_wait3A_225 = arith.constant 0 : i32
    %dma_wait3A_226 = tpu.memref_slice %arg8[%dma_wait3A_224, %dma_wait3A_225] : memref<1024x64xf32, #tpu.memory_space<vmem>> -> memref<128x64xf32, #tpu.memory_space<vmem>>
    %dma_wait3A_227 = arith.constant 0 : i32
    %dma_wait3A_228 = tpu.memref_slice %arg7[%dma_wait3A_223, %dma_wait3A_227] : memref<16x128xi32, #tpu.memory_space<vmem>> -> memref<1x128xi32, #tpu.memory_space<vmem>>
    %dma_wait3A_229 = tpu.memref_squeeze %dma_wait3A_228 : memref<1x128xi32, #tpu.memory_space<vmem>> -> memref<128xi32, #tpu.memory_space<vmem>>
    %dma_wait3A_230 = arith.constant 0 : i32
    %dma_wait3A_231 = arith.constant 0 : i32
    %dma_wait3A_232 = tpu.memref_slice %arg3[%dma_wait3A_230, %dma_wait3A_231] : memref<65536x64xf32, #tpu.memory_space<hbm>> -> memref<65536x64xf32, #tpu.memory_space<hbm>>
    tpu.wait_indirect_dma semaphore(%arg10 : memref<!tpu.dma_semaphore, #tpu.memory_space<semaphore_mem>>) src(%dma_wait3A_232 : memref<65536x64xf32, #tpu.memory_space<hbm>>) dst(%dma_wait3A_226 : memref<128x64xf32, #tpu.memory_space<vmem>>)
    %dma_wait3A_233 = arith.constant 3 : i32
    %dma_wait3A_234 = arith.constant 384 : i32
    %dma_wait3A_235 = arith.constant 0 : i32
    %dma_wait3A_236 = tpu.memref_slice %arg9[%dma_wait3A_234, %dma_wait3A_235] : memref<1024x16xf32, #tpu.memory_space<vmem>> -> memref<128x16xf32, #tpu.memory_space<vmem>>
    %dma_wait3A_237 = arith.constant 0 : i32
    %dma_wait3A_238 = tpu.memref_slice %arg7[%dma_wait3A_233, %dma_wait3A_237] : memref<16x128xi32, #tpu.memory_space<vmem>> -> memref<1x128xi32, #tpu.memory_space<vmem>>
    %dma_wait3A_239 = tpu.memref_squeeze %dma_wait3A_238 : memref<1x128xi32, #tpu.memory_space<vmem>> -> memref<128xi32, #tpu.memory_space<vmem>>
    %dma_wait3A_240 = arith.constant 0 : i32
    %dma_wait3A_241 = arith.constant 0 : i32
    %dma_wait3A_242 = tpu.memref_slice %arg4[%dma_wait3A_240, %dma_wait3A_241] : memref<65536x16xf32, #tpu.memory_space<hbm>> -> memref<65536x16xf32, #tpu.memory_space<hbm>>
    tpu.wait_indirect_dma semaphore(%arg11 : memref<!tpu.dma_semaphore, #tpu.memory_space<semaphore_mem>>) src(%dma_wait3A_242 : memref<65536x16xf32, #tpu.memory_space<hbm>>) dst(%dma_wait3A_236 : memref<128x16xf32, #tpu.memory_space<vmem>>)
    %dma_wait3A_243 = arith.constant 4 : i32
    %dma_wait3A_244 = arith.constant 512 : i32
    %dma_wait3A_245 = arith.constant 0 : i32
    %dma_wait3A_246 = tpu.memref_slice %arg8[%dma_wait3A_244, %dma_wait3A_245] : memref<1024x64xf32, #tpu.memory_space<vmem>> -> memref<128x64xf32, #tpu.memory_space<vmem>>
    %dma_wait3A_247 = arith.constant 0 : i32
    %dma_wait3A_248 = tpu.memref_slice %arg7[%dma_wait3A_243, %dma_wait3A_247] : memref<16x128xi32, #tpu.memory_space<vmem>> -> memref<1x128xi32, #tpu.memory_space<vmem>>
    %dma_wait3A_249 = tpu.memref_squeeze %dma_wait3A_248 : memref<1x128xi32, #tpu.memory_space<vmem>> -> memref<128xi32, #tpu.memory_space<vmem>>
    %dma_wait3A_250 = arith.constant 0 : i32
    %dma_wait3A_251 = arith.constant 0 : i32
    %dma_wait3A_252 = tpu.memref_slice %arg3[%dma_wait3A_250, %dma_wait3A_251] : memref<65536x64xf32, #tpu.memory_space<hbm>> -> memref<65536x64xf32, #tpu.memory_space<hbm>>
    tpu.wait_indirect_dma semaphore(%arg10 : memref<!tpu.dma_semaphore, #tpu.memory_space<semaphore_mem>>) src(%dma_wait3A_252 : memref<65536x64xf32, #tpu.memory_space<hbm>>) dst(%dma_wait3A_246 : memref<128x64xf32, #tpu.memory_space<vmem>>)
    %dma_wait3A_253 = arith.constant 4 : i32
    %dma_wait3A_254 = arith.constant 512 : i32
    %dma_wait3A_255 = arith.constant 0 : i32
    %dma_wait3A_256 = tpu.memref_slice %arg9[%dma_wait3A_254, %dma_wait3A_255] : memref<1024x16xf32, #tpu.memory_space<vmem>> -> memref<128x16xf32, #tpu.memory_space<vmem>>
    %dma_wait3A_257 = arith.constant 0 : i32
    %dma_wait3A_258 = tpu.memref_slice %arg7[%dma_wait3A_253, %dma_wait3A_257] : memref<16x128xi32, #tpu.memory_space<vmem>> -> memref<1x128xi32, #tpu.memory_space<vmem>>
    %dma_wait3A_259 = tpu.memref_squeeze %dma_wait3A_258 : memref<1x128xi32, #tpu.memory_space<vmem>> -> memref<128xi32, #tpu.memory_space<vmem>>
    %dma_wait3A_260 = arith.constant 0 : i32
    %dma_wait3A_261 = arith.constant 0 : i32
    %dma_wait3A_262 = tpu.memref_slice %arg4[%dma_wait3A_260, %dma_wait3A_261] : memref<65536x16xf32, #tpu.memory_space<hbm>> -> memref<65536x16xf32, #tpu.memory_space<hbm>>
    tpu.wait_indirect_dma semaphore(%arg11 : memref<!tpu.dma_semaphore, #tpu.memory_space<semaphore_mem>>) src(%dma_wait3A_262 : memref<65536x16xf32, #tpu.memory_space<hbm>>) dst(%dma_wait3A_256 : memref<128x16xf32, #tpu.memory_space<vmem>>)
    %dma_wait3A_263 = arith.constant 5 : i32
    %dma_wait3A_264 = arith.constant 640 : i32
    %dma_wait3A_265 = arith.constant 0 : i32
    %dma_wait3A_266 = tpu.memref_slice %arg8[%dma_wait3A_264, %dma_wait3A_265] : memref<1024x64xf32, #tpu.memory_space<vmem>> -> memref<128x64xf32, #tpu.memory_space<vmem>>
    %dma_wait3A_267 = arith.constant 0 : i32
    %dma_wait3A_268 = tpu.memref_slice %arg7[%dma_wait3A_263, %dma_wait3A_267] : memref<16x128xi32, #tpu.memory_space<vmem>> -> memref<1x128xi32, #tpu.memory_space<vmem>>
    %dma_wait3A_269 = tpu.memref_squeeze %dma_wait3A_268 : memref<1x128xi32, #tpu.memory_space<vmem>> -> memref<128xi32, #tpu.memory_space<vmem>>
    %dma_wait3A_270 = arith.constant 0 : i32
    %dma_wait3A_271 = arith.constant 0 : i32
    %dma_wait3A_272 = tpu.memref_slice %arg3[%dma_wait3A_270, %dma_wait3A_271] : memref<65536x64xf32, #tpu.memory_space<hbm>> -> memref<65536x64xf32, #tpu.memory_space<hbm>>
    tpu.wait_indirect_dma semaphore(%arg10 : memref<!tpu.dma_semaphore, #tpu.memory_space<semaphore_mem>>) src(%dma_wait3A_272 : memref<65536x64xf32, #tpu.memory_space<hbm>>) dst(%dma_wait3A_266 : memref<128x64xf32, #tpu.memory_space<vmem>>)
    %dma_wait3A_273 = arith.constant 5 : i32
    %dma_wait3A_274 = arith.constant 640 : i32
    %dma_wait3A_275 = arith.constant 0 : i32
    %dma_wait3A_276 = tpu.memref_slice %arg9[%dma_wait3A_274, %dma_wait3A_275] : memref<1024x16xf32, #tpu.memory_space<vmem>> -> memref<128x16xf32, #tpu.memory_space<vmem>>
    %dma_wait3A_277 = arith.constant 0 : i32
    %dma_wait3A_278 = tpu.memref_slice %arg7[%dma_wait3A_273, %dma_wait3A_277] : memref<16x128xi32, #tpu.memory_space<vmem>> -> memref<1x128xi32, #tpu.memory_space<vmem>>
    %dma_wait3A_279 = tpu.memref_squeeze %dma_wait3A_278 : memref<1x128xi32, #tpu.memory_space<vmem>> -> memref<128xi32, #tpu.memory_space<vmem>>
    %dma_wait3A_280 = arith.constant 0 : i32
    %dma_wait3A_281 = arith.constant 0 : i32
    %dma_wait3A_282 = tpu.memref_slice %arg4[%dma_wait3A_280, %dma_wait3A_281] : memref<65536x16xf32, #tpu.memory_space<hbm>> -> memref<65536x16xf32, #tpu.memory_space<hbm>>
    tpu.wait_indirect_dma semaphore(%arg11 : memref<!tpu.dma_semaphore, #tpu.memory_space<semaphore_mem>>) src(%dma_wait3A_282 : memref<65536x16xf32, #tpu.memory_space<hbm>>) dst(%dma_wait3A_276 : memref<128x16xf32, #tpu.memory_space<vmem>>)
    %dma_wait3A_283 = arith.constant 6 : i32
    %dma_wait3A_284 = arith.constant 768 : i32
    %dma_wait3A_285 = arith.constant 0 : i32
    %dma_wait3A_286 = tpu.memref_slice %arg8[%dma_wait3A_284, %dma_wait3A_285] : memref<1024x64xf32, #tpu.memory_space<vmem>> -> memref<128x64xf32, #tpu.memory_space<vmem>>
    %dma_wait3A_287 = arith.constant 0 : i32
    %dma_wait3A_288 = tpu.memref_slice %arg7[%dma_wait3A_283, %dma_wait3A_287] : memref<16x128xi32, #tpu.memory_space<vmem>> -> memref<1x128xi32, #tpu.memory_space<vmem>>
    %dma_wait3A_289 = tpu.memref_squeeze %dma_wait3A_288 : memref<1x128xi32, #tpu.memory_space<vmem>> -> memref<128xi32, #tpu.memory_space<vmem>>
    %dma_wait3A_290 = arith.constant 0 : i32
    %dma_wait3A_291 = arith.constant 0 : i32
    %dma_wait3A_292 = tpu.memref_slice %arg3[%dma_wait3A_290, %dma_wait3A_291] : memref<65536x64xf32, #tpu.memory_space<hbm>> -> memref<65536x64xf32, #tpu.memory_space<hbm>>
    tpu.wait_indirect_dma semaphore(%arg10 : memref<!tpu.dma_semaphore, #tpu.memory_space<semaphore_mem>>) src(%dma_wait3A_292 : memref<65536x64xf32, #tpu.memory_space<hbm>>) dst(%dma_wait3A_286 : memref<128x64xf32, #tpu.memory_space<vmem>>)
    %dma_wait3A_293 = arith.constant 6 : i32
    %dma_wait3A_294 = arith.constant 768 : i32
    %dma_wait3A_295 = arith.constant 0 : i32
    %dma_wait3A_296 = tpu.memref_slice %arg9[%dma_wait3A_294, %dma_wait3A_295] : memref<1024x16xf32, #tpu.memory_space<vmem>> -> memref<128x16xf32, #tpu.memory_space<vmem>>
    %dma_wait3A_297 = arith.constant 0 : i32
    %dma_wait3A_298 = tpu.memref_slice %arg7[%dma_wait3A_293, %dma_wait3A_297] : memref<16x128xi32, #tpu.memory_space<vmem>> -> memref<1x128xi32, #tpu.memory_space<vmem>>
    %dma_wait3A_299 = tpu.memref_squeeze %dma_wait3A_298 : memref<1x128xi32, #tpu.memory_space<vmem>> -> memref<128xi32, #tpu.memory_space<vmem>>
    %dma_wait3A_300 = arith.constant 0 : i32
    %dma_wait3A_301 = arith.constant 0 : i32
    %dma_wait3A_302 = tpu.memref_slice %arg4[%dma_wait3A_300, %dma_wait3A_301] : memref<65536x16xf32, #tpu.memory_space<hbm>> -> memref<65536x16xf32, #tpu.memory_space<hbm>>
    tpu.wait_indirect_dma semaphore(%arg11 : memref<!tpu.dma_semaphore, #tpu.memory_space<semaphore_mem>>) src(%dma_wait3A_302 : memref<65536x16xf32, #tpu.memory_space<hbm>>) dst(%dma_wait3A_296 : memref<128x16xf32, #tpu.memory_space<vmem>>)
    %dma_wait3A_303 = arith.constant 7 : i32
    %dma_wait3A_304 = arith.constant 896 : i32
    %dma_wait3A_305 = arith.constant 0 : i32
    %dma_wait3A_306 = tpu.memref_slice %arg8[%dma_wait3A_304, %dma_wait3A_305] : memref<1024x64xf32, #tpu.memory_space<vmem>> -> memref<128x64xf32, #tpu.memory_space<vmem>>
    %dma_wait3A_307 = arith.constant 0 : i32
    %dma_wait3A_308 = tpu.memref_slice %arg7[%dma_wait3A_303, %dma_wait3A_307] : memref<16x128xi32, #tpu.memory_space<vmem>> -> memref<1x128xi32, #tpu.memory_space<vmem>>
    %dma_wait3A_309 = tpu.memref_squeeze %dma_wait3A_308 : memref<1x128xi32, #tpu.memory_space<vmem>> -> memref<128xi32, #tpu.memory_space<vmem>>
    %dma_wait3A_310 = arith.constant 0 : i32
    %dma_wait3A_311 = arith.constant 0 : i32
    %dma_wait3A_312 = tpu.memref_slice %arg3[%dma_wait3A_310, %dma_wait3A_311] : memref<65536x64xf32, #tpu.memory_space<hbm>> -> memref<65536x64xf32, #tpu.memory_space<hbm>>
    tpu.wait_indirect_dma semaphore(%arg10 : memref<!tpu.dma_semaphore, #tpu.memory_space<semaphore_mem>>) src(%dma_wait3A_312 : memref<65536x64xf32, #tpu.memory_space<hbm>>) dst(%dma_wait3A_306 : memref<128x64xf32, #tpu.memory_space<vmem>>)
    %dma_wait3A_313 = arith.constant 7 : i32
    %dma_wait3A_314 = arith.constant 896 : i32
    %dma_wait3A_315 = arith.constant 0 : i32
    %dma_wait3A_316 = tpu.memref_slice %arg9[%dma_wait3A_314, %dma_wait3A_315] : memref<1024x16xf32, #tpu.memory_space<vmem>> -> memref<128x16xf32, #tpu.memory_space<vmem>>
    %dma_wait3A_317 = arith.constant 0 : i32
    %dma_wait3A_318 = tpu.memref_slice %arg7[%dma_wait3A_313, %dma_wait3A_317] : memref<16x128xi32, #tpu.memory_space<vmem>> -> memref<1x128xi32, #tpu.memory_space<vmem>>
    %dma_wait3A_319 = tpu.memref_squeeze %dma_wait3A_318 : memref<1x128xi32, #tpu.memory_space<vmem>> -> memref<128xi32, #tpu.memory_space<vmem>>
    %dma_wait3A_320 = arith.constant 0 : i32
    %dma_wait3A_321 = arith.constant 0 : i32
    %dma_wait3A_322 = tpu.memref_slice %arg4[%dma_wait3A_320, %dma_wait3A_321] : memref<65536x16xf32, #tpu.memory_space<hbm>> -> memref<65536x16xf32, #tpu.memory_space<hbm>>
    tpu.wait_indirect_dma semaphore(%arg11 : memref<!tpu.dma_semaphore, #tpu.memory_space<semaphore_mem>>) src(%dma_wait3A_322 : memref<65536x16xf32, #tpu.memory_space<hbm>>) dst(%dma_wait3A_316 : memref<128x16xf32, #tpu.memory_space<vmem>>)
    %add3A_323 = arith.constant 0 : i32
    %add3A_324 = arith.addi %mul3A_2, %add3A_323 : i32
    "tpu.region"() ({
      %run_scoped3A = tpu.sem_alloc : memref<!tpu.dma_semaphore, #tpu.memory_space<semaphore_mem>>
      %dma_start3A_651 = arith.constant 0 : i32
      %dma_start3A_652 = tpu.memref_slice %arg5[%add3A_324, %dma_start3A_651] : memref<65536x64xf32, #tpu.memory_space<hbm>> -> memref<1024x64xf32, #tpu.memory_space<hbm>>
      %dma_start3A_653 = arith.constant 0 : i32
      %dma_start3A_654 = tpu.memref_slice %arg5[%add3A_324, %dma_start3A_653] : memref<65536x64xf32, #tpu.memory_space<hbm>> -> memref<1024x64xf32, #tpu.memory_space<hbm>>
      tpu.enqueue_dma source(%arg8 : memref<1024x64xf32, #tpu.memory_space<vmem>>) target(%dma_start3A_654 : memref<1024x64xf32, #tpu.memory_space<hbm>>) target_semaphore(%run_scoped3A : memref<!tpu.dma_semaphore, #tpu.memory_space<semaphore_mem>>)
      %dma_wait3A_655 = arith.constant 0 : i32
      %dma_wait3A_656 = tpu.memref_slice %arg5[%add3A_324, %dma_wait3A_655] : memref<65536x64xf32, #tpu.memory_space<hbm>> -> memref<1024x64xf32, #tpu.memory_space<hbm>>
      %dma_wait3A_657 = arith.constant 0 : i32
      %dma_wait3A_658 = tpu.memref_slice %arg5[%add3A_324, %dma_wait3A_657] : memref<65536x64xf32, #tpu.memory_space<hbm>> -> memref<1024x64xf32, #tpu.memory_space<hbm>>
      tpu.wait_dma2 semaphore(%run_scoped3A : memref<!tpu.dma_semaphore, #tpu.memory_space<semaphore_mem>>) src(%arg8 : memref<1024x64xf32, #tpu.memory_space<vmem>>) dst(%dma_wait3A_658 : memref<1024x64xf32, #tpu.memory_space<hbm>>)
      tpu.yield
    }) : () -> ()
    %add3A_325 = arith.constant 0 : i32
    %add3A_326 = arith.addi %mul3A_2, %add3A_325 : i32
    "tpu.region"() ({
      %run_scoped3A = tpu.sem_alloc : memref<!tpu.dma_semaphore, #tpu.memory_space<semaphore_mem>>
      %dma_start3A_651 = arith.constant 0 : i32
      %dma_start3A_652 = tpu.memref_slice %arg6[%add3A_326, %dma_start3A_651] : memref<65536x16xf32, #tpu.memory_space<hbm>> -> memref<1024x16xf32, #tpu.memory_space<hbm>>
      %dma_start3A_653 = arith.constant 0 : i32
      %dma_start3A_654 = tpu.memref_slice %arg6[%add3A_326, %dma_start3A_653] : memref<65536x16xf32, #tpu.memory_space<hbm>> -> memref<1024x16xf32, #tpu.memory_space<hbm>>
      tpu.enqueue_dma source(%arg9 : memref<1024x16xf32, #tpu.memory_space<vmem>>) target(%dma_start3A_654 : memref<1024x16xf32, #tpu.memory_space<hbm>>) target_semaphore(%run_scoped3A : memref<!tpu.dma_semaphore, #tpu.memory_space<semaphore_mem>>)
      %dma_wait3A_655 = arith.constant 0 : i32
      %dma_wait3A_656 = tpu.memref_slice %arg6[%add3A_326, %dma_wait3A_655] : memref<65536x16xf32, #tpu.memory_space<hbm>> -> memref<1024x16xf32, #tpu.memory_space<hbm>>
      %dma_wait3A_657 = arith.constant 0 : i32
      %dma_wait3A_658 = tpu.memref_slice %arg6[%add3A_326, %dma_wait3A_657] : memref<65536x16xf32, #tpu.memory_space<hbm>> -> memref<1024x16xf32, #tpu.memory_space<hbm>>
      tpu.wait_dma2 semaphore(%run_scoped3A : memref<!tpu.dma_semaphore, #tpu.memory_space<semaphore_mem>>) src(%arg9 : memref<1024x16xf32, #tpu.memory_space<vmem>>) dst(%dma_wait3A_658 : memref<1024x16xf32, #tpu.memory_space<hbm>>)
      tpu.yield
    }) : () -> ()
    %dma_start3A_327 = arith.constant 8 : i32
    %dma_start3A_328 = arith.constant 0 : i32
    %dma_start3A_329 = arith.constant 0 : i32
    %dma_start3A_330 = tpu.memref_slice %arg8[%dma_start3A_328, %dma_start3A_329] : memref<1024x64xf32, #tpu.memory_space<vmem>> -> memref<128x64xf32, #tpu.memory_space<vmem>>
    %dma_start3A_331 = arith.constant 0 : i32
    %dma_start3A_332 = tpu.memref_slice %arg7[%dma_start3A_327, %dma_start3A_331] : memref<16x128xi32, #tpu.memory_space<vmem>> -> memref<1x128xi32, #tpu.memory_space<vmem>>
    %dma_start3A_333 = tpu.memref_squeeze %dma_start3A_332 : memref<1x128xi32, #tpu.memory_space<vmem>> -> memref<128xi32, #tpu.memory_space<vmem>>
    %dma_start3A_334 = arith.constant 0 : i32
    %dma_start3A_335 = arith.constant 0 : i32
    %dma_start3A_336 = tpu.memref_slice %arg3[%dma_start3A_334, %dma_start3A_335] : memref<65536x64xf32, #tpu.memory_space<hbm>> -> memref<65536x64xf32, #tpu.memory_space<hbm>>
    tpu.enqueue_indirect_dma source(%dma_start3A_336 : memref<65536x64xf32, #tpu.memory_space<hbm>>) target(%dma_start3A_330 : memref<128x64xf32, #tpu.memory_space<vmem>>) offsets(%dma_start3A_333 : memref<128xi32, #tpu.memory_space<vmem>>) semaphore(%arg10 : memref<!tpu.dma_semaphore, #tpu.memory_space<semaphore_mem>>)
    %dma_start3A_337 = arith.constant 8 : i32
    %dma_start3A_338 = arith.constant 0 : i32
    %dma_start3A_339 = arith.constant 0 : i32
    %dma_start3A_340 = tpu.memref_slice %arg9[%dma_start3A_338, %dma_start3A_339] : memref<1024x16xf32, #tpu.memory_space<vmem>> -> memref<128x16xf32, #tpu.memory_space<vmem>>
    %dma_start3A_341 = arith.constant 0 : i32
    %dma_start3A_342 = tpu.memref_slice %arg7[%dma_start3A_337, %dma_start3A_341] : memref<16x128xi32, #tpu.memory_space<vmem>> -> memref<1x128xi32, #tpu.memory_space<vmem>>
    %dma_start3A_343 = tpu.memref_squeeze %dma_start3A_342 : memref<1x128xi32, #tpu.memory_space<vmem>> -> memref<128xi32, #tpu.memory_space<vmem>>
    %dma_start3A_344 = arith.constant 0 : i32
    %dma_start3A_345 = arith.constant 0 : i32
    %dma_start3A_346 = tpu.memref_slice %arg4[%dma_start3A_344, %dma_start3A_345] : memref<65536x16xf32, #tpu.memory_space<hbm>> -> memref<65536x16xf32, #tpu.memory_space<hbm>>
    tpu.enqueue_indirect_dma source(%dma_start3A_346 : memref<65536x16xf32, #tpu.memory_space<hbm>>) target(%dma_start3A_340 : memref<128x16xf32, #tpu.memory_space<vmem>>) offsets(%dma_start3A_343 : memref<128xi32, #tpu.memory_space<vmem>>) semaphore(%arg11 : memref<!tpu.dma_semaphore, #tpu.memory_space<semaphore_mem>>)
    %dma_start3A_347 = arith.constant 9 : i32
    %dma_start3A_348 = arith.constant 128 : i32
    %dma_start3A_349 = arith.constant 0 : i32
    %dma_start3A_350 = tpu.memref_slice %arg8[%dma_start3A_348, %dma_start3A_349] : memref<1024x64xf32, #tpu.memory_space<vmem>> -> memref<128x64xf32, #tpu.memory_space<vmem>>
    %dma_start3A_351 = arith.constant 0 : i32
    %dma_start3A_352 = tpu.memref_slice %arg7[%dma_start3A_347, %dma_start3A_351] : memref<16x128xi32, #tpu.memory_space<vmem>> -> memref<1x128xi32, #tpu.memory_space<vmem>>
    %dma_start3A_353 = tpu.memref_squeeze %dma_start3A_352 : memref<1x128xi32, #tpu.memory_space<vmem>> -> memref<128xi32, #tpu.memory_space<vmem>>
    %dma_start3A_354 = arith.constant 0 : i32
    %dma_start3A_355 = arith.constant 0 : i32
    %dma_start3A_356 = tpu.memref_slice %arg3[%dma_start3A_354, %dma_start3A_355] : memref<65536x64xf32, #tpu.memory_space<hbm>> -> memref<65536x64xf32, #tpu.memory_space<hbm>>
    tpu.enqueue_indirect_dma source(%dma_start3A_356 : memref<65536x64xf32, #tpu.memory_space<hbm>>) target(%dma_start3A_350 : memref<128x64xf32, #tpu.memory_space<vmem>>) offsets(%dma_start3A_353 : memref<128xi32, #tpu.memory_space<vmem>>) semaphore(%arg10 : memref<!tpu.dma_semaphore, #tpu.memory_space<semaphore_mem>>)
    %dma_start3A_357 = arith.constant 9 : i32
    %dma_start3A_358 = arith.constant 128 : i32
    %dma_start3A_359 = arith.constant 0 : i32
    %dma_start3A_360 = tpu.memref_slice %arg9[%dma_start3A_358, %dma_start3A_359] : memref<1024x16xf32, #tpu.memory_space<vmem>> -> memref<128x16xf32, #tpu.memory_space<vmem>>
    %dma_start3A_361 = arith.constant 0 : i32
    %dma_start3A_362 = tpu.memref_slice %arg7[%dma_start3A_357, %dma_start3A_361] : memref<16x128xi32, #tpu.memory_space<vmem>> -> memref<1x128xi32, #tpu.memory_space<vmem>>
    %dma_start3A_363 = tpu.memref_squeeze %dma_start3A_362 : memref<1x128xi32, #tpu.memory_space<vmem>> -> memref<128xi32, #tpu.memory_space<vmem>>
    %dma_start3A_364 = arith.constant 0 : i32
    %dma_start3A_365 = arith.constant 0 : i32
    %dma_start3A_366 = tpu.memref_slice %arg4[%dma_start3A_364, %dma_start3A_365] : memref<65536x16xf32, #tpu.memory_space<hbm>> -> memref<65536x16xf32, #tpu.memory_space<hbm>>
    tpu.enqueue_indirect_dma source(%dma_start3A_366 : memref<65536x16xf32, #tpu.memory_space<hbm>>) target(%dma_start3A_360 : memref<128x16xf32, #tpu.memory_space<vmem>>) offsets(%dma_start3A_363 : memref<128xi32, #tpu.memory_space<vmem>>) semaphore(%arg11 : memref<!tpu.dma_semaphore, #tpu.memory_space<semaphore_mem>>)
    %dma_start3A_367 = arith.constant 10 : i32
    %dma_start3A_368 = arith.constant 256 : i32
    %dma_start3A_369 = arith.constant 0 : i32
    %dma_start3A_370 = tpu.memref_slice %arg8[%dma_start3A_368, %dma_start3A_369] : memref<1024x64xf32, #tpu.memory_space<vmem>> -> memref<128x64xf32, #tpu.memory_space<vmem>>
    %dma_start3A_371 = arith.constant 0 : i32
    %dma_start3A_372 = tpu.memref_slice %arg7[%dma_start3A_367, %dma_start3A_371] : memref<16x128xi32, #tpu.memory_space<vmem>> -> memref<1x128xi32, #tpu.memory_space<vmem>>
    %dma_start3A_373 = tpu.memref_squeeze %dma_start3A_372 : memref<1x128xi32, #tpu.memory_space<vmem>> -> memref<128xi32, #tpu.memory_space<vmem>>
    %dma_start3A_374 = arith.constant 0 : i32
    %dma_start3A_375 = arith.constant 0 : i32
    %dma_start3A_376 = tpu.memref_slice %arg3[%dma_start3A_374, %dma_start3A_375] : memref<65536x64xf32, #tpu.memory_space<hbm>> -> memref<65536x64xf32, #tpu.memory_space<hbm>>
    tpu.enqueue_indirect_dma source(%dma_start3A_376 : memref<65536x64xf32, #tpu.memory_space<hbm>>) target(%dma_start3A_370 : memref<128x64xf32, #tpu.memory_space<vmem>>) offsets(%dma_start3A_373 : memref<128xi32, #tpu.memory_space<vmem>>) semaphore(%arg10 : memref<!tpu.dma_semaphore, #tpu.memory_space<semaphore_mem>>)
    %dma_start3A_377 = arith.constant 10 : i32
    %dma_start3A_378 = arith.constant 256 : i32
    %dma_start3A_379 = arith.constant 0 : i32
    %dma_start3A_380 = tpu.memref_slice %arg9[%dma_start3A_378, %dma_start3A_379] : memref<1024x16xf32, #tpu.memory_space<vmem>> -> memref<128x16xf32, #tpu.memory_space<vmem>>
    %dma_start3A_381 = arith.constant 0 : i32
    %dma_start3A_382 = tpu.memref_slice %arg7[%dma_start3A_377, %dma_start3A_381] : memref<16x128xi32, #tpu.memory_space<vmem>> -> memref<1x128xi32, #tpu.memory_space<vmem>>
    %dma_start3A_383 = tpu.memref_squeeze %dma_start3A_382 : memref<1x128xi32, #tpu.memory_space<vmem>> -> memref<128xi32, #tpu.memory_space<vmem>>
    %dma_start3A_384 = arith.constant 0 : i32
    %dma_start3A_385 = arith.constant 0 : i32
    %dma_start3A_386 = tpu.memref_slice %arg4[%dma_start3A_384, %dma_start3A_385] : memref<65536x16xf32, #tpu.memory_space<hbm>> -> memref<65536x16xf32, #tpu.memory_space<hbm>>
    tpu.enqueue_indirect_dma source(%dma_start3A_386 : memref<65536x16xf32, #tpu.memory_space<hbm>>) target(%dma_start3A_380 : memref<128x16xf32, #tpu.memory_space<vmem>>) offsets(%dma_start3A_383 : memref<128xi32, #tpu.memory_space<vmem>>) semaphore(%arg11 : memref<!tpu.dma_semaphore, #tpu.memory_space<semaphore_mem>>)
    %dma_start3A_387 = arith.constant 11 : i32
    %dma_start3A_388 = arith.constant 384 : i32
    %dma_start3A_389 = arith.constant 0 : i32
    %dma_start3A_390 = tpu.memref_slice %arg8[%dma_start3A_388, %dma_start3A_389] : memref<1024x64xf32, #tpu.memory_space<vmem>> -> memref<128x64xf32, #tpu.memory_space<vmem>>
    %dma_start3A_391 = arith.constant 0 : i32
    %dma_start3A_392 = tpu.memref_slice %arg7[%dma_start3A_387, %dma_start3A_391] : memref<16x128xi32, #tpu.memory_space<vmem>> -> memref<1x128xi32, #tpu.memory_space<vmem>>
    %dma_start3A_393 = tpu.memref_squeeze %dma_start3A_392 : memref<1x128xi32, #tpu.memory_space<vmem>> -> memref<128xi32, #tpu.memory_space<vmem>>
    %dma_start3A_394 = arith.constant 0 : i32
    %dma_start3A_395 = arith.constant 0 : i32
    %dma_start3A_396 = tpu.memref_slice %arg3[%dma_start3A_394, %dma_start3A_395] : memref<65536x64xf32, #tpu.memory_space<hbm>> -> memref<65536x64xf32, #tpu.memory_space<hbm>>
    tpu.enqueue_indirect_dma source(%dma_start3A_396 : memref<65536x64xf32, #tpu.memory_space<hbm>>) target(%dma_start3A_390 : memref<128x64xf32, #tpu.memory_space<vmem>>) offsets(%dma_start3A_393 : memref<128xi32, #tpu.memory_space<vmem>>) semaphore(%arg10 : memref<!tpu.dma_semaphore, #tpu.memory_space<semaphore_mem>>)
    %dma_start3A_397 = arith.constant 11 : i32
    %dma_start3A_398 = arith.constant 384 : i32
    %dma_start3A_399 = arith.constant 0 : i32
    %dma_start3A_400 = tpu.memref_slice %arg9[%dma_start3A_398, %dma_start3A_399] : memref<1024x16xf32, #tpu.memory_space<vmem>> -> memref<128x16xf32, #tpu.memory_space<vmem>>
    %dma_start3A_401 = arith.constant 0 : i32
    %dma_start3A_402 = tpu.memref_slice %arg7[%dma_start3A_397, %dma_start3A_401] : memref<16x128xi32, #tpu.memory_space<vmem>> -> memref<1x128xi32, #tpu.memory_space<vmem>>
    %dma_start3A_403 = tpu.memref_squeeze %dma_start3A_402 : memref<1x128xi32, #tpu.memory_space<vmem>> -> memref<128xi32, #tpu.memory_space<vmem>>
    %dma_start3A_404 = arith.constant 0 : i32
    %dma_start3A_405 = arith.constant 0 : i32
    %dma_start3A_406 = tpu.memref_slice %arg4[%dma_start3A_404, %dma_start3A_405] : memref<65536x16xf32, #tpu.memory_space<hbm>> -> memref<65536x16xf32, #tpu.memory_space<hbm>>
    tpu.enqueue_indirect_dma source(%dma_start3A_406 : memref<65536x16xf32, #tpu.memory_space<hbm>>) target(%dma_start3A_400 : memref<128x16xf32, #tpu.memory_space<vmem>>) offsets(%dma_start3A_403 : memref<128xi32, #tpu.memory_space<vmem>>) semaphore(%arg11 : memref<!tpu.dma_semaphore, #tpu.memory_space<semaphore_mem>>)
    %dma_start3A_407 = arith.constant 12 : i32
    %dma_start3A_408 = arith.constant 512 : i32
    %dma_start3A_409 = arith.constant 0 : i32
    %dma_start3A_410 = tpu.memref_slice %arg8[%dma_start3A_408, %dma_start3A_409] : memref<1024x64xf32, #tpu.memory_space<vmem>> -> memref<128x64xf32, #tpu.memory_space<vmem>>
    %dma_start3A_411 = arith.constant 0 : i32
    %dma_start3A_412 = tpu.memref_slice %arg7[%dma_start3A_407, %dma_start3A_411] : memref<16x128xi32, #tpu.memory_space<vmem>> -> memref<1x128xi32, #tpu.memory_space<vmem>>
    %dma_start3A_413 = tpu.memref_squeeze %dma_start3A_412 : memref<1x128xi32, #tpu.memory_space<vmem>> -> memref<128xi32, #tpu.memory_space<vmem>>
    %dma_start3A_414 = arith.constant 0 : i32
    %dma_start3A_415 = arith.constant 0 : i32
    %dma_start3A_416 = tpu.memref_slice %arg3[%dma_start3A_414, %dma_start3A_415] : memref<65536x64xf32, #tpu.memory_space<hbm>> -> memref<65536x64xf32, #tpu.memory_space<hbm>>
    tpu.enqueue_indirect_dma source(%dma_start3A_416 : memref<65536x64xf32, #tpu.memory_space<hbm>>) target(%dma_start3A_410 : memref<128x64xf32, #tpu.memory_space<vmem>>) offsets(%dma_start3A_413 : memref<128xi32, #tpu.memory_space<vmem>>) semaphore(%arg10 : memref<!tpu.dma_semaphore, #tpu.memory_space<semaphore_mem>>)
    %dma_start3A_417 = arith.constant 12 : i32
    %dma_start3A_418 = arith.constant 512 : i32
    %dma_start3A_419 = arith.constant 0 : i32
    %dma_start3A_420 = tpu.memref_slice %arg9[%dma_start3A_418, %dma_start3A_419] : memref<1024x16xf32, #tpu.memory_space<vmem>> -> memref<128x16xf32, #tpu.memory_space<vmem>>
    %dma_start3A_421 = arith.constant 0 : i32
    %dma_start3A_422 = tpu.memref_slice %arg7[%dma_start3A_417, %dma_start3A_421] : memref<16x128xi32, #tpu.memory_space<vmem>> -> memref<1x128xi32, #tpu.memory_space<vmem>>
    %dma_start3A_423 = tpu.memref_squeeze %dma_start3A_422 : memref<1x128xi32, #tpu.memory_space<vmem>> -> memref<128xi32, #tpu.memory_space<vmem>>
    %dma_start3A_424 = arith.constant 0 : i32
    %dma_start3A_425 = arith.constant 0 : i32
    %dma_start3A_426 = tpu.memref_slice %arg4[%dma_start3A_424, %dma_start3A_425] : memref<65536x16xf32, #tpu.memory_space<hbm>> -> memref<65536x16xf32, #tpu.memory_space<hbm>>
    tpu.enqueue_indirect_dma source(%dma_start3A_426 : memref<65536x16xf32, #tpu.memory_space<hbm>>) target(%dma_start3A_420 : memref<128x16xf32, #tpu.memory_space<vmem>>) offsets(%dma_start3A_423 : memref<128xi32, #tpu.memory_space<vmem>>) semaphore(%arg11 : memref<!tpu.dma_semaphore, #tpu.memory_space<semaphore_mem>>)
    %dma_start3A_427 = arith.constant 13 : i32
    %dma_start3A_428 = arith.constant 640 : i32
    %dma_start3A_429 = arith.constant 0 : i32
    %dma_start3A_430 = tpu.memref_slice %arg8[%dma_start3A_428, %dma_start3A_429] : memref<1024x64xf32, #tpu.memory_space<vmem>> -> memref<128x64xf32, #tpu.memory_space<vmem>>
    %dma_start3A_431 = arith.constant 0 : i32
    %dma_start3A_432 = tpu.memref_slice %arg7[%dma_start3A_427, %dma_start3A_431] : memref<16x128xi32, #tpu.memory_space<vmem>> -> memref<1x128xi32, #tpu.memory_space<vmem>>
    %dma_start3A_433 = tpu.memref_squeeze %dma_start3A_432 : memref<1x128xi32, #tpu.memory_space<vmem>> -> memref<128xi32, #tpu.memory_space<vmem>>
    %dma_start3A_434 = arith.constant 0 : i32
    %dma_start3A_435 = arith.constant 0 : i32
    %dma_start3A_436 = tpu.memref_slice %arg3[%dma_start3A_434, %dma_start3A_435] : memref<65536x64xf32, #tpu.memory_space<hbm>> -> memref<65536x64xf32, #tpu.memory_space<hbm>>
    tpu.enqueue_indirect_dma source(%dma_start3A_436 : memref<65536x64xf32, #tpu.memory_space<hbm>>) target(%dma_start3A_430 : memref<128x64xf32, #tpu.memory_space<vmem>>) offsets(%dma_start3A_433 : memref<128xi32, #tpu.memory_space<vmem>>) semaphore(%arg10 : memref<!tpu.dma_semaphore, #tpu.memory_space<semaphore_mem>>)
    %dma_start3A_437 = arith.constant 13 : i32
    %dma_start3A_438 = arith.constant 640 : i32
    %dma_start3A_439 = arith.constant 0 : i32
    %dma_start3A_440 = tpu.memref_slice %arg9[%dma_start3A_438, %dma_start3A_439] : memref<1024x16xf32, #tpu.memory_space<vmem>> -> memref<128x16xf32, #tpu.memory_space<vmem>>
    %dma_start3A_441 = arith.constant 0 : i32
    %dma_start3A_442 = tpu.memref_slice %arg7[%dma_start3A_437, %dma_start3A_441] : memref<16x128xi32, #tpu.memory_space<vmem>> -> memref<1x128xi32, #tpu.memory_space<vmem>>
    %dma_start3A_443 = tpu.memref_squeeze %dma_start3A_442 : memref<1x128xi32, #tpu.memory_space<vmem>> -> memref<128xi32, #tpu.memory_space<vmem>>
    %dma_start3A_444 = arith.constant 0 : i32
    %dma_start3A_445 = arith.constant 0 : i32
    %dma_start3A_446 = tpu.memref_slice %arg4[%dma_start3A_444, %dma_start3A_445] : memref<65536x16xf32, #tpu.memory_space<hbm>> -> memref<65536x16xf32, #tpu.memory_space<hbm>>
    tpu.enqueue_indirect_dma source(%dma_start3A_446 : memref<65536x16xf32, #tpu.memory_space<hbm>>) target(%dma_start3A_440 : memref<128x16xf32, #tpu.memory_space<vmem>>) offsets(%dma_start3A_443 : memref<128xi32, #tpu.memory_space<vmem>>) semaphore(%arg11 : memref<!tpu.dma_semaphore, #tpu.memory_space<semaphore_mem>>)
    %dma_start3A_447 = arith.constant 14 : i32
    %dma_start3A_448 = arith.constant 768 : i32
    %dma_start3A_449 = arith.constant 0 : i32
    %dma_start3A_450 = tpu.memref_slice %arg8[%dma_start3A_448, %dma_start3A_449] : memref<1024x64xf32, #tpu.memory_space<vmem>> -> memref<128x64xf32, #tpu.memory_space<vmem>>
    %dma_start3A_451 = arith.constant 0 : i32
    %dma_start3A_452 = tpu.memref_slice %arg7[%dma_start3A_447, %dma_start3A_451] : memref<16x128xi32, #tpu.memory_space<vmem>> -> memref<1x128xi32, #tpu.memory_space<vmem>>
    %dma_start3A_453 = tpu.memref_squeeze %dma_start3A_452 : memref<1x128xi32, #tpu.memory_space<vmem>> -> memref<128xi32, #tpu.memory_space<vmem>>
    %dma_start3A_454 = arith.constant 0 : i32
    %dma_start3A_455 = arith.constant 0 : i32
    %dma_start3A_456 = tpu.memref_slice %arg3[%dma_start3A_454, %dma_start3A_455] : memref<65536x64xf32, #tpu.memory_space<hbm>> -> memref<65536x64xf32, #tpu.memory_space<hbm>>
    tpu.enqueue_indirect_dma source(%dma_start3A_456 : memref<65536x64xf32, #tpu.memory_space<hbm>>) target(%dma_start3A_450 : memref<128x64xf32, #tpu.memory_space<vmem>>) offsets(%dma_start3A_453 : memref<128xi32, #tpu.memory_space<vmem>>) semaphore(%arg10 : memref<!tpu.dma_semaphore, #tpu.memory_space<semaphore_mem>>)
    %dma_start3A_457 = arith.constant 14 : i32
    %dma_start3A_458 = arith.constant 768 : i32
    %dma_start3A_459 = arith.constant 0 : i32
    %dma_start3A_460 = tpu.memref_slice %arg9[%dma_start3A_458, %dma_start3A_459] : memref<1024x16xf32, #tpu.memory_space<vmem>> -> memref<128x16xf32, #tpu.memory_space<vmem>>
    %dma_start3A_461 = arith.constant 0 : i32
    %dma_start3A_462 = tpu.memref_slice %arg7[%dma_start3A_457, %dma_start3A_461] : memref<16x128xi32, #tpu.memory_space<vmem>> -> memref<1x128xi32, #tpu.memory_space<vmem>>
    %dma_start3A_463 = tpu.memref_squeeze %dma_start3A_462 : memref<1x128xi32, #tpu.memory_space<vmem>> -> memref<128xi32, #tpu.memory_space<vmem>>
    %dma_start3A_464 = arith.constant 0 : i32
    %dma_start3A_465 = arith.constant 0 : i32
    %dma_start3A_466 = tpu.memref_slice %arg4[%dma_start3A_464, %dma_start3A_465] : memref<65536x16xf32, #tpu.memory_space<hbm>> -> memref<65536x16xf32, #tpu.memory_space<hbm>>
    tpu.enqueue_indirect_dma source(%dma_start3A_466 : memref<65536x16xf32, #tpu.memory_space<hbm>>) target(%dma_start3A_460 : memref<128x16xf32, #tpu.memory_space<vmem>>) offsets(%dma_start3A_463 : memref<128xi32, #tpu.memory_space<vmem>>) semaphore(%arg11 : memref<!tpu.dma_semaphore, #tpu.memory_space<semaphore_mem>>)
    %dma_start3A_467 = arith.constant 15 : i32
    %dma_start3A_468 = arith.constant 896 : i32
    %dma_start3A_469 = arith.constant 0 : i32
    %dma_start3A_470 = tpu.memref_slice %arg8[%dma_start3A_468, %dma_start3A_469] : memref<1024x64xf32, #tpu.memory_space<vmem>> -> memref<128x64xf32, #tpu.memory_space<vmem>>
    %dma_start3A_471 = arith.constant 0 : i32
    %dma_start3A_472 = tpu.memref_slice %arg7[%dma_start3A_467, %dma_start3A_471] : memref<16x128xi32, #tpu.memory_space<vmem>> -> memref<1x128xi32, #tpu.memory_space<vmem>>
    %dma_start3A_473 = tpu.memref_squeeze %dma_start3A_472 : memref<1x128xi32, #tpu.memory_space<vmem>> -> memref<128xi32, #tpu.memory_space<vmem>>
    %dma_start3A_474 = arith.constant 0 : i32
    %dma_start3A_475 = arith.constant 0 : i32
    %dma_start3A_476 = tpu.memref_slice %arg3[%dma_start3A_474, %dma_start3A_475] : memref<65536x64xf32, #tpu.memory_space<hbm>> -> memref<65536x64xf32, #tpu.memory_space<hbm>>
    tpu.enqueue_indirect_dma source(%dma_start3A_476 : memref<65536x64xf32, #tpu.memory_space<hbm>>) target(%dma_start3A_470 : memref<128x64xf32, #tpu.memory_space<vmem>>) offsets(%dma_start3A_473 : memref<128xi32, #tpu.memory_space<vmem>>) semaphore(%arg10 : memref<!tpu.dma_semaphore, #tpu.memory_space<semaphore_mem>>)
    %dma_start3A_477 = arith.constant 15 : i32
    %dma_start3A_478 = arith.constant 896 : i32
    %dma_start3A_479 = arith.constant 0 : i32
    %dma_start3A_480 = tpu.memref_slice %arg9[%dma_start3A_478, %dma_start3A_479] : memref<1024x16xf32, #tpu.memory_space<vmem>> -> memref<128x16xf32, #tpu.memory_space<vmem>>
    %dma_start3A_481 = arith.constant 0 : i32
    %dma_start3A_482 = tpu.memref_slice %arg7[%dma_start3A_477, %dma_start3A_481] : memref<16x128xi32, #tpu.memory_space<vmem>> -> memref<1x128xi32, #tpu.memory_space<vmem>>
    %dma_start3A_483 = tpu.memref_squeeze %dma_start3A_482 : memref<1x128xi32, #tpu.memory_space<vmem>> -> memref<128xi32, #tpu.memory_space<vmem>>
    %dma_start3A_484 = arith.constant 0 : i32
    %dma_start3A_485 = arith.constant 0 : i32
    %dma_start3A_486 = tpu.memref_slice %arg4[%dma_start3A_484, %dma_start3A_485] : memref<65536x16xf32, #tpu.memory_space<hbm>> -> memref<65536x16xf32, #tpu.memory_space<hbm>>
    tpu.enqueue_indirect_dma source(%dma_start3A_486 : memref<65536x16xf32, #tpu.memory_space<hbm>>) target(%dma_start3A_480 : memref<128x16xf32, #tpu.memory_space<vmem>>) offsets(%dma_start3A_483 : memref<128xi32, #tpu.memory_space<vmem>>) semaphore(%arg11 : memref<!tpu.dma_semaphore, #tpu.memory_space<semaphore_mem>>)
    %dma_wait3A_487 = arith.constant 8 : i32
    %dma_wait3A_488 = arith.constant 0 : i32
    %dma_wait3A_489 = arith.constant 0 : i32
    %dma_wait3A_490 = tpu.memref_slice %arg8[%dma_wait3A_488, %dma_wait3A_489] : memref<1024x64xf32, #tpu.memory_space<vmem>> -> memref<128x64xf32, #tpu.memory_space<vmem>>
    %dma_wait3A_491 = arith.constant 0 : i32
    %dma_wait3A_492 = tpu.memref_slice %arg7[%dma_wait3A_487, %dma_wait3A_491] : memref<16x128xi32, #tpu.memory_space<vmem>> -> memref<1x128xi32, #tpu.memory_space<vmem>>
    %dma_wait3A_493 = tpu.memref_squeeze %dma_wait3A_492 : memref<1x128xi32, #tpu.memory_space<vmem>> -> memref<128xi32, #tpu.memory_space<vmem>>
    %dma_wait3A_494 = arith.constant 0 : i32
    %dma_wait3A_495 = arith.constant 0 : i32
    %dma_wait3A_496 = tpu.memref_slice %arg3[%dma_wait3A_494, %dma_wait3A_495] : memref<65536x64xf32, #tpu.memory_space<hbm>> -> memref<65536x64xf32, #tpu.memory_space<hbm>>
    tpu.wait_indirect_dma semaphore(%arg10 : memref<!tpu.dma_semaphore, #tpu.memory_space<semaphore_mem>>) src(%dma_wait3A_496 : memref<65536x64xf32, #tpu.memory_space<hbm>>) dst(%dma_wait3A_490 : memref<128x64xf32, #tpu.memory_space<vmem>>)
    %dma_wait3A_497 = arith.constant 8 : i32
    %dma_wait3A_498 = arith.constant 0 : i32
    %dma_wait3A_499 = arith.constant 0 : i32
    %dma_wait3A_500 = tpu.memref_slice %arg9[%dma_wait3A_498, %dma_wait3A_499] : memref<1024x16xf32, #tpu.memory_space<vmem>> -> memref<128x16xf32, #tpu.memory_space<vmem>>
    %dma_wait3A_501 = arith.constant 0 : i32
    %dma_wait3A_502 = tpu.memref_slice %arg7[%dma_wait3A_497, %dma_wait3A_501] : memref<16x128xi32, #tpu.memory_space<vmem>> -> memref<1x128xi32, #tpu.memory_space<vmem>>
    %dma_wait3A_503 = tpu.memref_squeeze %dma_wait3A_502 : memref<1x128xi32, #tpu.memory_space<vmem>> -> memref<128xi32, #tpu.memory_space<vmem>>
    %dma_wait3A_504 = arith.constant 0 : i32
    %dma_wait3A_505 = arith.constant 0 : i32
    %dma_wait3A_506 = tpu.memref_slice %arg4[%dma_wait3A_504, %dma_wait3A_505] : memref<65536x16xf32, #tpu.memory_space<hbm>> -> memref<65536x16xf32, #tpu.memory_space<hbm>>
    tpu.wait_indirect_dma semaphore(%arg11 : memref<!tpu.dma_semaphore, #tpu.memory_space<semaphore_mem>>) src(%dma_wait3A_506 : memref<65536x16xf32, #tpu.memory_space<hbm>>) dst(%dma_wait3A_500 : memref<128x16xf32, #tpu.memory_space<vmem>>)
    %dma_wait3A_507 = arith.constant 9 : i32
    %dma_wait3A_508 = arith.constant 128 : i32
    %dma_wait3A_509 = arith.constant 0 : i32
    %dma_wait3A_510 = tpu.memref_slice %arg8[%dma_wait3A_508, %dma_wait3A_509] : memref<1024x64xf32, #tpu.memory_space<vmem>> -> memref<128x64xf32, #tpu.memory_space<vmem>>
    %dma_wait3A_511 = arith.constant 0 : i32
    %dma_wait3A_512 = tpu.memref_slice %arg7[%dma_wait3A_507, %dma_wait3A_511] : memref<16x128xi32, #tpu.memory_space<vmem>> -> memref<1x128xi32, #tpu.memory_space<vmem>>
    %dma_wait3A_513 = tpu.memref_squeeze %dma_wait3A_512 : memref<1x128xi32, #tpu.memory_space<vmem>> -> memref<128xi32, #tpu.memory_space<vmem>>
    %dma_wait3A_514 = arith.constant 0 : i32
    %dma_wait3A_515 = arith.constant 0 : i32
    %dma_wait3A_516 = tpu.memref_slice %arg3[%dma_wait3A_514, %dma_wait3A_515] : memref<65536x64xf32, #tpu.memory_space<hbm>> -> memref<65536x64xf32, #tpu.memory_space<hbm>>
    tpu.wait_indirect_dma semaphore(%arg10 : memref<!tpu.dma_semaphore, #tpu.memory_space<semaphore_mem>>) src(%dma_wait3A_516 : memref<65536x64xf32, #tpu.memory_space<hbm>>) dst(%dma_wait3A_510 : memref<128x64xf32, #tpu.memory_space<vmem>>)
    %dma_wait3A_517 = arith.constant 9 : i32
    %dma_wait3A_518 = arith.constant 128 : i32
    %dma_wait3A_519 = arith.constant 0 : i32
    %dma_wait3A_520 = tpu.memref_slice %arg9[%dma_wait3A_518, %dma_wait3A_519] : memref<1024x16xf32, #tpu.memory_space<vmem>> -> memref<128x16xf32, #tpu.memory_space<vmem>>
    %dma_wait3A_521 = arith.constant 0 : i32
    %dma_wait3A_522 = tpu.memref_slice %arg7[%dma_wait3A_517, %dma_wait3A_521] : memref<16x128xi32, #tpu.memory_space<vmem>> -> memref<1x128xi32, #tpu.memory_space<vmem>>
    %dma_wait3A_523 = tpu.memref_squeeze %dma_wait3A_522 : memref<1x128xi32, #tpu.memory_space<vmem>> -> memref<128xi32, #tpu.memory_space<vmem>>
    %dma_wait3A_524 = arith.constant 0 : i32
    %dma_wait3A_525 = arith.constant 0 : i32
    %dma_wait3A_526 = tpu.memref_slice %arg4[%dma_wait3A_524, %dma_wait3A_525] : memref<65536x16xf32, #tpu.memory_space<hbm>> -> memref<65536x16xf32, #tpu.memory_space<hbm>>
    tpu.wait_indirect_dma semaphore(%arg11 : memref<!tpu.dma_semaphore, #tpu.memory_space<semaphore_mem>>) src(%dma_wait3A_526 : memref<65536x16xf32, #tpu.memory_space<hbm>>) dst(%dma_wait3A_520 : memref<128x16xf32, #tpu.memory_space<vmem>>)
    %dma_wait3A_527 = arith.constant 10 : i32
    %dma_wait3A_528 = arith.constant 256 : i32
    %dma_wait3A_529 = arith.constant 0 : i32
    %dma_wait3A_530 = tpu.memref_slice %arg8[%dma_wait3A_528, %dma_wait3A_529] : memref<1024x64xf32, #tpu.memory_space<vmem>> -> memref<128x64xf32, #tpu.memory_space<vmem>>
    %dma_wait3A_531 = arith.constant 0 : i32
    %dma_wait3A_532 = tpu.memref_slice %arg7[%dma_wait3A_527, %dma_wait3A_531] : memref<16x128xi32, #tpu.memory_space<vmem>> -> memref<1x128xi32, #tpu.memory_space<vmem>>
    %dma_wait3A_533 = tpu.memref_squeeze %dma_wait3A_532 : memref<1x128xi32, #tpu.memory_space<vmem>> -> memref<128xi32, #tpu.memory_space<vmem>>
    %dma_wait3A_534 = arith.constant 0 : i32
    %dma_wait3A_535 = arith.constant 0 : i32
    %dma_wait3A_536 = tpu.memref_slice %arg3[%dma_wait3A_534, %dma_wait3A_535] : memref<65536x64xf32, #tpu.memory_space<hbm>> -> memref<65536x64xf32, #tpu.memory_space<hbm>>
    tpu.wait_indirect_dma semaphore(%arg10 : memref<!tpu.dma_semaphore, #tpu.memory_space<semaphore_mem>>) src(%dma_wait3A_536 : memref<65536x64xf32, #tpu.memory_space<hbm>>) dst(%dma_wait3A_530 : memref<128x64xf32, #tpu.memory_space<vmem>>)
    %dma_wait3A_537 = arith.constant 10 : i32
    %dma_wait3A_538 = arith.constant 256 : i32
    %dma_wait3A_539 = arith.constant 0 : i32
    %dma_wait3A_540 = tpu.memref_slice %arg9[%dma_wait3A_538, %dma_wait3A_539] : memref<1024x16xf32, #tpu.memory_space<vmem>> -> memref<128x16xf32, #tpu.memory_space<vmem>>
    %dma_wait3A_541 = arith.constant 0 : i32
    %dma_wait3A_542 = tpu.memref_slice %arg7[%dma_wait3A_537, %dma_wait3A_541] : memref<16x128xi32, #tpu.memory_space<vmem>> -> memref<1x128xi32, #tpu.memory_space<vmem>>
    %dma_wait3A_543 = tpu.memref_squeeze %dma_wait3A_542 : memref<1x128xi32, #tpu.memory_space<vmem>> -> memref<128xi32, #tpu.memory_space<vmem>>
    %dma_wait3A_544 = arith.constant 0 : i32
    %dma_wait3A_545 = arith.constant 0 : i32
    %dma_wait3A_546 = tpu.memref_slice %arg4[%dma_wait3A_544, %dma_wait3A_545] : memref<65536x16xf32, #tpu.memory_space<hbm>> -> memref<65536x16xf32, #tpu.memory_space<hbm>>
    tpu.wait_indirect_dma semaphore(%arg11 : memref<!tpu.dma_semaphore, #tpu.memory_space<semaphore_mem>>) src(%dma_wait3A_546 : memref<65536x16xf32, #tpu.memory_space<hbm>>) dst(%dma_wait3A_540 : memref<128x16xf32, #tpu.memory_space<vmem>>)
    %dma_wait3A_547 = arith.constant 11 : i32
    %dma_wait3A_548 = arith.constant 384 : i32
    %dma_wait3A_549 = arith.constant 0 : i32
    %dma_wait3A_550 = tpu.memref_slice %arg8[%dma_wait3A_548, %dma_wait3A_549] : memref<1024x64xf32, #tpu.memory_space<vmem>> -> memref<128x64xf32, #tpu.memory_space<vmem>>
    %dma_wait3A_551 = arith.constant 0 : i32
    %dma_wait3A_552 = tpu.memref_slice %arg7[%dma_wait3A_547, %dma_wait3A_551] : memref<16x128xi32, #tpu.memory_space<vmem>> -> memref<1x128xi32, #tpu.memory_space<vmem>>
    %dma_wait3A_553 = tpu.memref_squeeze %dma_wait3A_552 : memref<1x128xi32, #tpu.memory_space<vmem>> -> memref<128xi32, #tpu.memory_space<vmem>>
    %dma_wait3A_554 = arith.constant 0 : i32
    %dma_wait3A_555 = arith.constant 0 : i32
    %dma_wait3A_556 = tpu.memref_slice %arg3[%dma_wait3A_554, %dma_wait3A_555] : memref<65536x64xf32, #tpu.memory_space<hbm>> -> memref<65536x64xf32, #tpu.memory_space<hbm>>
    tpu.wait_indirect_dma semaphore(%arg10 : memref<!tpu.dma_semaphore, #tpu.memory_space<semaphore_mem>>) src(%dma_wait3A_556 : memref<65536x64xf32, #tpu.memory_space<hbm>>) dst(%dma_wait3A_550 : memref<128x64xf32, #tpu.memory_space<vmem>>)
    %dma_wait3A_557 = arith.constant 11 : i32
    %dma_wait3A_558 = arith.constant 384 : i32
    %dma_wait3A_559 = arith.constant 0 : i32
    %dma_wait3A_560 = tpu.memref_slice %arg9[%dma_wait3A_558, %dma_wait3A_559] : memref<1024x16xf32, #tpu.memory_space<vmem>> -> memref<128x16xf32, #tpu.memory_space<vmem>>
    %dma_wait3A_561 = arith.constant 0 : i32
    %dma_wait3A_562 = tpu.memref_slice %arg7[%dma_wait3A_557, %dma_wait3A_561] : memref<16x128xi32, #tpu.memory_space<vmem>> -> memref<1x128xi32, #tpu.memory_space<vmem>>
    %dma_wait3A_563 = tpu.memref_squeeze %dma_wait3A_562 : memref<1x128xi32, #tpu.memory_space<vmem>> -> memref<128xi32, #tpu.memory_space<vmem>>
    %dma_wait3A_564 = arith.constant 0 : i32
    %dma_wait3A_565 = arith.constant 0 : i32
    %dma_wait3A_566 = tpu.memref_slice %arg4[%dma_wait3A_564, %dma_wait3A_565] : memref<65536x16xf32, #tpu.memory_space<hbm>> -> memref<65536x16xf32, #tpu.memory_space<hbm>>
    tpu.wait_indirect_dma semaphore(%arg11 : memref<!tpu.dma_semaphore, #tpu.memory_space<semaphore_mem>>) src(%dma_wait3A_566 : memref<65536x16xf32, #tpu.memory_space<hbm>>) dst(%dma_wait3A_560 : memref<128x16xf32, #tpu.memory_space<vmem>>)
    %dma_wait3A_567 = arith.constant 12 : i32
    %dma_wait3A_568 = arith.constant 512 : i32
    %dma_wait3A_569 = arith.constant 0 : i32
    %dma_wait3A_570 = tpu.memref_slice %arg8[%dma_wait3A_568, %dma_wait3A_569] : memref<1024x64xf32, #tpu.memory_space<vmem>> -> memref<128x64xf32, #tpu.memory_space<vmem>>
    %dma_wait3A_571 = arith.constant 0 : i32
    %dma_wait3A_572 = tpu.memref_slice %arg7[%dma_wait3A_567, %dma_wait3A_571] : memref<16x128xi32, #tpu.memory_space<vmem>> -> memref<1x128xi32, #tpu.memory_space<vmem>>
    %dma_wait3A_573 = tpu.memref_squeeze %dma_wait3A_572 : memref<1x128xi32, #tpu.memory_space<vmem>> -> memref<128xi32, #tpu.memory_space<vmem>>
    %dma_wait3A_574 = arith.constant 0 : i32
    %dma_wait3A_575 = arith.constant 0 : i32
    %dma_wait3A_576 = tpu.memref_slice %arg3[%dma_wait3A_574, %dma_wait3A_575] : memref<65536x64xf32, #tpu.memory_space<hbm>> -> memref<65536x64xf32, #tpu.memory_space<hbm>>
    tpu.wait_indirect_dma semaphore(%arg10 : memref<!tpu.dma_semaphore, #tpu.memory_space<semaphore_mem>>) src(%dma_wait3A_576 : memref<65536x64xf32, #tpu.memory_space<hbm>>) dst(%dma_wait3A_570 : memref<128x64xf32, #tpu.memory_space<vmem>>)
    %dma_wait3A_577 = arith.constant 12 : i32
    %dma_wait3A_578 = arith.constant 512 : i32
    %dma_wait3A_579 = arith.constant 0 : i32
    %dma_wait3A_580 = tpu.memref_slice %arg9[%dma_wait3A_578, %dma_wait3A_579] : memref<1024x16xf32, #tpu.memory_space<vmem>> -> memref<128x16xf32, #tpu.memory_space<vmem>>
    %dma_wait3A_581 = arith.constant 0 : i32
    %dma_wait3A_582 = tpu.memref_slice %arg7[%dma_wait3A_577, %dma_wait3A_581] : memref<16x128xi32, #tpu.memory_space<vmem>> -> memref<1x128xi32, #tpu.memory_space<vmem>>
    %dma_wait3A_583 = tpu.memref_squeeze %dma_wait3A_582 : memref<1x128xi32, #tpu.memory_space<vmem>> -> memref<128xi32, #tpu.memory_space<vmem>>
    %dma_wait3A_584 = arith.constant 0 : i32
    %dma_wait3A_585 = arith.constant 0 : i32
    %dma_wait3A_586 = tpu.memref_slice %arg4[%dma_wait3A_584, %dma_wait3A_585] : memref<65536x16xf32, #tpu.memory_space<hbm>> -> memref<65536x16xf32, #tpu.memory_space<hbm>>
    tpu.wait_indirect_dma semaphore(%arg11 : memref<!tpu.dma_semaphore, #tpu.memory_space<semaphore_mem>>) src(%dma_wait3A_586 : memref<65536x16xf32, #tpu.memory_space<hbm>>) dst(%dma_wait3A_580 : memref<128x16xf32, #tpu.memory_space<vmem>>)
    %dma_wait3A_587 = arith.constant 13 : i32
    %dma_wait3A_588 = arith.constant 640 : i32
    %dma_wait3A_589 = arith.constant 0 : i32
    %dma_wait3A_590 = tpu.memref_slice %arg8[%dma_wait3A_588, %dma_wait3A_589] : memref<1024x64xf32, #tpu.memory_space<vmem>> -> memref<128x64xf32, #tpu.memory_space<vmem>>
    %dma_wait3A_591 = arith.constant 0 : i32
    %dma_wait3A_592 = tpu.memref_slice %arg7[%dma_wait3A_587, %dma_wait3A_591] : memref<16x128xi32, #tpu.memory_space<vmem>> -> memref<1x128xi32, #tpu.memory_space<vmem>>
    %dma_wait3A_593 = tpu.memref_squeeze %dma_wait3A_592 : memref<1x128xi32, #tpu.memory_space<vmem>> -> memref<128xi32, #tpu.memory_space<vmem>>
    %dma_wait3A_594 = arith.constant 0 : i32
    %dma_wait3A_595 = arith.constant 0 : i32
    %dma_wait3A_596 = tpu.memref_slice %arg3[%dma_wait3A_594, %dma_wait3A_595] : memref<65536x64xf32, #tpu.memory_space<hbm>> -> memref<65536x64xf32, #tpu.memory_space<hbm>>
    tpu.wait_indirect_dma semaphore(%arg10 : memref<!tpu.dma_semaphore, #tpu.memory_space<semaphore_mem>>) src(%dma_wait3A_596 : memref<65536x64xf32, #tpu.memory_space<hbm>>) dst(%dma_wait3A_590 : memref<128x64xf32, #tpu.memory_space<vmem>>)
    %dma_wait3A_597 = arith.constant 13 : i32
    %dma_wait3A_598 = arith.constant 640 : i32
    %dma_wait3A_599 = arith.constant 0 : i32
    %dma_wait3A_600 = tpu.memref_slice %arg9[%dma_wait3A_598, %dma_wait3A_599] : memref<1024x16xf32, #tpu.memory_space<vmem>> -> memref<128x16xf32, #tpu.memory_space<vmem>>
    %dma_wait3A_601 = arith.constant 0 : i32
    %dma_wait3A_602 = tpu.memref_slice %arg7[%dma_wait3A_597, %dma_wait3A_601] : memref<16x128xi32, #tpu.memory_space<vmem>> -> memref<1x128xi32, #tpu.memory_space<vmem>>
    %dma_wait3A_603 = tpu.memref_squeeze %dma_wait3A_602 : memref<1x128xi32, #tpu.memory_space<vmem>> -> memref<128xi32, #tpu.memory_space<vmem>>
    %dma_wait3A_604 = arith.constant 0 : i32
    %dma_wait3A_605 = arith.constant 0 : i32
    %dma_wait3A_606 = tpu.memref_slice %arg4[%dma_wait3A_604, %dma_wait3A_605] : memref<65536x16xf32, #tpu.memory_space<hbm>> -> memref<65536x16xf32, #tpu.memory_space<hbm>>
    tpu.wait_indirect_dma semaphore(%arg11 : memref<!tpu.dma_semaphore, #tpu.memory_space<semaphore_mem>>) src(%dma_wait3A_606 : memref<65536x16xf32, #tpu.memory_space<hbm>>) dst(%dma_wait3A_600 : memref<128x16xf32, #tpu.memory_space<vmem>>)
    %dma_wait3A_607 = arith.constant 14 : i32
    %dma_wait3A_608 = arith.constant 768 : i32
    %dma_wait3A_609 = arith.constant 0 : i32
    %dma_wait3A_610 = tpu.memref_slice %arg8[%dma_wait3A_608, %dma_wait3A_609] : memref<1024x64xf32, #tpu.memory_space<vmem>> -> memref<128x64xf32, #tpu.memory_space<vmem>>
    %dma_wait3A_611 = arith.constant 0 : i32
    %dma_wait3A_612 = tpu.memref_slice %arg7[%dma_wait3A_607, %dma_wait3A_611] : memref<16x128xi32, #tpu.memory_space<vmem>> -> memref<1x128xi32, #tpu.memory_space<vmem>>
    %dma_wait3A_613 = tpu.memref_squeeze %dma_wait3A_612 : memref<1x128xi32, #tpu.memory_space<vmem>> -> memref<128xi32, #tpu.memory_space<vmem>>
    %dma_wait3A_614 = arith.constant 0 : i32
    %dma_wait3A_615 = arith.constant 0 : i32
    %dma_wait3A_616 = tpu.memref_slice %arg3[%dma_wait3A_614, %dma_wait3A_615] : memref<65536x64xf32, #tpu.memory_space<hbm>> -> memref<65536x64xf32, #tpu.memory_space<hbm>>
    tpu.wait_indirect_dma semaphore(%arg10 : memref<!tpu.dma_semaphore, #tpu.memory_space<semaphore_mem>>) src(%dma_wait3A_616 : memref<65536x64xf32, #tpu.memory_space<hbm>>) dst(%dma_wait3A_610 : memref<128x64xf32, #tpu.memory_space<vmem>>)
    %dma_wait3A_617 = arith.constant 14 : i32
    %dma_wait3A_618 = arith.constant 768 : i32
    %dma_wait3A_619 = arith.constant 0 : i32
    %dma_wait3A_620 = tpu.memref_slice %arg9[%dma_wait3A_618, %dma_wait3A_619] : memref<1024x16xf32, #tpu.memory_space<vmem>> -> memref<128x16xf32, #tpu.memory_space<vmem>>
    %dma_wait3A_621 = arith.constant 0 : i32
    %dma_wait3A_622 = tpu.memref_slice %arg7[%dma_wait3A_617, %dma_wait3A_621] : memref<16x128xi32, #tpu.memory_space<vmem>> -> memref<1x128xi32, #tpu.memory_space<vmem>>
    %dma_wait3A_623 = tpu.memref_squeeze %dma_wait3A_622 : memref<1x128xi32, #tpu.memory_space<vmem>> -> memref<128xi32, #tpu.memory_space<vmem>>
    %dma_wait3A_624 = arith.constant 0 : i32
    %dma_wait3A_625 = arith.constant 0 : i32
    %dma_wait3A_626 = tpu.memref_slice %arg4[%dma_wait3A_624, %dma_wait3A_625] : memref<65536x16xf32, #tpu.memory_space<hbm>> -> memref<65536x16xf32, #tpu.memory_space<hbm>>
    tpu.wait_indirect_dma semaphore(%arg11 : memref<!tpu.dma_semaphore, #tpu.memory_space<semaphore_mem>>) src(%dma_wait3A_626 : memref<65536x16xf32, #tpu.memory_space<hbm>>) dst(%dma_wait3A_620 : memref<128x16xf32, #tpu.memory_space<vmem>>)
    %dma_wait3A_627 = arith.constant 15 : i32
    %dma_wait3A_628 = arith.constant 896 : i32
    %dma_wait3A_629 = arith.constant 0 : i32
    %dma_wait3A_630 = tpu.memref_slice %arg8[%dma_wait3A_628, %dma_wait3A_629] : memref<1024x64xf32, #tpu.memory_space<vmem>> -> memref<128x64xf32, #tpu.memory_space<vmem>>
    %dma_wait3A_631 = arith.constant 0 : i32
    %dma_wait3A_632 = tpu.memref_slice %arg7[%dma_wait3A_627, %dma_wait3A_631] : memref<16x128xi32, #tpu.memory_space<vmem>> -> memref<1x128xi32, #tpu.memory_space<vmem>>
    %dma_wait3A_633 = tpu.memref_squeeze %dma_wait3A_632 : memref<1x128xi32, #tpu.memory_space<vmem>> -> memref<128xi32, #tpu.memory_space<vmem>>
    %dma_wait3A_634 = arith.constant 0 : i32
    %dma_wait3A_635 = arith.constant 0 : i32
    %dma_wait3A_636 = tpu.memref_slice %arg3[%dma_wait3A_634, %dma_wait3A_635] : memref<65536x64xf32, #tpu.memory_space<hbm>> -> memref<65536x64xf32, #tpu.memory_space<hbm>>
    tpu.wait_indirect_dma semaphore(%arg10 : memref<!tpu.dma_semaphore, #tpu.memory_space<semaphore_mem>>) src(%dma_wait3A_636 : memref<65536x64xf32, #tpu.memory_space<hbm>>) dst(%dma_wait3A_630 : memref<128x64xf32, #tpu.memory_space<vmem>>)
    %dma_wait3A_637 = arith.constant 15 : i32
    %dma_wait3A_638 = arith.constant 896 : i32
    %dma_wait3A_639 = arith.constant 0 : i32
    %dma_wait3A_640 = tpu.memref_slice %arg9[%dma_wait3A_638, %dma_wait3A_639] : memref<1024x16xf32, #tpu.memory_space<vmem>> -> memref<128x16xf32, #tpu.memory_space<vmem>>
    %dma_wait3A_641 = arith.constant 0 : i32
    %dma_wait3A_642 = tpu.memref_slice %arg7[%dma_wait3A_637, %dma_wait3A_641] : memref<16x128xi32, #tpu.memory_space<vmem>> -> memref<1x128xi32, #tpu.memory_space<vmem>>
    %dma_wait3A_643 = tpu.memref_squeeze %dma_wait3A_642 : memref<1x128xi32, #tpu.memory_space<vmem>> -> memref<128xi32, #tpu.memory_space<vmem>>
    %dma_wait3A_644 = arith.constant 0 : i32
    %dma_wait3A_645 = arith.constant 0 : i32
    %dma_wait3A_646 = tpu.memref_slice %arg4[%dma_wait3A_644, %dma_wait3A_645] : memref<65536x16xf32, #tpu.memory_space<hbm>> -> memref<65536x16xf32, #tpu.memory_space<hbm>>
    tpu.wait_indirect_dma semaphore(%arg11 : memref<!tpu.dma_semaphore, #tpu.memory_space<semaphore_mem>>) src(%dma_wait3A_646 : memref<65536x16xf32, #tpu.memory_space<hbm>>) dst(%dma_wait3A_640 : memref<128x16xf32, #tpu.memory_space<vmem>>)
    %add3A_647 = arith.constant 1024 : i32
    %add3A_648 = arith.addi %mul3A_2, %add3A_647 : i32
    "tpu.region"() ({
      %run_scoped3A = tpu.sem_alloc : memref<!tpu.dma_semaphore, #tpu.memory_space<semaphore_mem>>
      %dma_start3A_651 = arith.constant 0 : i32
      %dma_start3A_652 = tpu.memref_slice %arg5[%add3A_648, %dma_start3A_651] : memref<65536x64xf32, #tpu.memory_space<hbm>> -> memref<1024x64xf32, #tpu.memory_space<hbm>>
      %dma_start3A_653 = arith.constant 0 : i32
      %dma_start3A_654 = tpu.memref_slice %arg5[%add3A_648, %dma_start3A_653] : memref<65536x64xf32, #tpu.memory_space<hbm>> -> memref<1024x64xf32, #tpu.memory_space<hbm>>
      tpu.enqueue_dma source(%arg8 : memref<1024x64xf32, #tpu.memory_space<vmem>>) target(%dma_start3A_654 : memref<1024x64xf32, #tpu.memory_space<hbm>>) target_semaphore(%run_scoped3A : memref<!tpu.dma_semaphore, #tpu.memory_space<semaphore_mem>>)
      %dma_wait3A_655 = arith.constant 0 : i32
      %dma_wait3A_656 = tpu.memref_slice %arg5[%add3A_648, %dma_wait3A_655] : memref<65536x64xf32, #tpu.memory_space<hbm>> -> memref<1024x64xf32, #tpu.memory_space<hbm>>
      %dma_wait3A_657 = arith.constant 0 : i32
      %dma_wait3A_658 = tpu.memref_slice %arg5[%add3A_648, %dma_wait3A_657] : memref<65536x64xf32, #tpu.memory_space<hbm>> -> memref<1024x64xf32, #tpu.memory_space<hbm>>
      tpu.wait_dma2 semaphore(%run_scoped3A : memref<!tpu.dma_semaphore, #tpu.memory_space<semaphore_mem>>) src(%arg8 : memref<1024x64xf32, #tpu.memory_space<vmem>>) dst(%dma_wait3A_658 : memref<1024x64xf32, #tpu.memory_space<hbm>>)
      tpu.yield
    }) : () -> ()
    %add3A_649 = arith.constant 1024 : i32
    %add3A_650 = arith.addi %mul3A_2, %add3A_649 : i32
    "tpu.region"() ({
      %run_scoped3A = tpu.sem_alloc : memref<!tpu.dma_semaphore, #tpu.memory_space<semaphore_mem>>
      %dma_start3A_651 = arith.constant 0 : i32
      %dma_start3A_652 = tpu.memref_slice %arg6[%add3A_650, %dma_start3A_651] : memref<65536x16xf32, #tpu.memory_space<hbm>> -> memref<1024x16xf32, #tpu.memory_space<hbm>>
      %dma_start3A_653 = arith.constant 0 : i32
      %dma_start3A_654 = tpu.memref_slice %arg6[%add3A_650, %dma_start3A_653] : memref<65536x16xf32, #tpu.memory_space<hbm>> -> memref<1024x16xf32, #tpu.memory_space<hbm>>
      tpu.enqueue_dma source(%arg9 : memref<1024x16xf32, #tpu.memory_space<vmem>>) target(%dma_start3A_654 : memref<1024x16xf32, #tpu.memory_space<hbm>>) target_semaphore(%run_scoped3A : memref<!tpu.dma_semaphore, #tpu.memory_space<semaphore_mem>>)
      %dma_wait3A_655 = arith.constant 0 : i32
      %dma_wait3A_656 = tpu.memref_slice %arg6[%add3A_650, %dma_wait3A_655] : memref<65536x16xf32, #tpu.memory_space<hbm>> -> memref<1024x16xf32, #tpu.memory_space<hbm>>
      %dma_wait3A_657 = arith.constant 0 : i32
      %dma_wait3A_658 = tpu.memref_slice %arg6[%add3A_650, %dma_wait3A_657] : memref<65536x16xf32, #tpu.memory_space<hbm>> -> memref<1024x16xf32, #tpu.memory_space<hbm>>
      tpu.wait_dma2 semaphore(%run_scoped3A : memref<!tpu.dma_semaphore, #tpu.memory_space<semaphore_mem>>) src(%arg9 : memref<1024x16xf32, #tpu.memory_space<vmem>>) dst(%dma_wait3A_658 : memref<1024x16xf32, #tpu.memory_space<hbm>>)
      tpu.yield
    }) : () -> ()
    return
  }
}

module attributes {stable_mosaic.version = 14 : i64} {
  func.func @_argmin_body(%arg0: i32, %arg1: i32, %arg2: memref<1x1024x3xf32, #tpu.memory_space<vmem>>, %arg3: memref<1x3x4096xf32, #tpu.memory_space<vmem>>, %arg4: memref<1x1024x1xi32, #tpu.memory_space<vmem>>, %arg5: memref<1024x128xf32, #tpu.memory_space<vmem>>, %arg6: memref<1024x128xi32, #tpu.memory_space<vmem>>, %arg7: memref<1024x128xf32, #tpu.memory_space<vmem>>, %arg8: memref<1024x128xi32, #tpu.memory_space<vmem>>) attributes {dimension_semantics = [#tpu.dimension_semantics<arbitrary>, #tpu.dimension_semantics<arbitrary>], iteration_bounds = array<i64: 4, 4>, scalar_prefetch = 0 : i64, scratch_operands = 4 : i64, tpu.core_type = #tpu.core_type<tc>, window_params = [{transform_indices = @transform_0, window_bounds = array<i64: 1, 1024, 3>}, {transform_indices = @transform_1, window_bounds = array<i64: 1, 3, 4096>}, {transform_indices = @transform_2, window_bounds = array<i64: 1, 1024, 1>}]} {
    %get3A = arith.constant 0 : index
    %get3A_0 = arith.constant 0 : index
    %get3A_1 = arith.constant 0 : index
    %get3A_2 = vector.load %arg2[%get3A, %get3A_0, %get3A_1] : memref<1x1024x3xf32, #tpu.memory_space<vmem>>, vector<1x1024x3xf32>
    %get3A_3 = vector.shape_cast %get3A_2 : vector<1x1024x3xf32> to vector<1024x3xf32>
    %get3A_4 = arith.constant 0 : index
    %get3A_5 = arith.constant 0 : index
    %get3A_6 = arith.constant 0 : index
    %get3A_7 = vector.load %arg3[%get3A_4, %get3A_5, %get3A_6] : memref<1x3x4096xf32, #tpu.memory_space<vmem>>, vector<1x3x4096xf32>
    %get3A_8 = vector.shape_cast %get3A_7 : vector<1x3x4096xf32> to vector<3x4096xf32>
    %mul3A = arith.mulf %get3A_3, %get3A_3 : vector<1024x3xf32>
    %reduce_sum3A = arith.constant dense<0.000000e+00> : vector<1024xf32>
    %reduce_sum3A_9 = vector.multi_reduction <add>, %mul3A, %reduce_sum3A [1] : vector<1024x3xf32> to vector<1024xf32>
    %broadcast_in_dim3A = vector.shape_cast %reduce_sum3A_9 : vector<1024xf32> to vector<1024x1xf32>
    %mul3A_10 = arith.mulf %get3A_8, %get3A_8 : vector<3x4096xf32>
    %reduce_sum3A_11 = arith.constant dense<0.000000e+00> : vector<4096xf32>
    %reduce_sum3A_12 = vector.multi_reduction <add>, %mul3A_10, %reduce_sum3A_11 [0] : vector<3x4096xf32> to vector<4096xf32>
    %broadcast_in_dim3A_13 = vector.shape_cast %reduce_sum3A_12 : vector<4096xf32> to vector<1x4096xf32>
    %dot_general3A = arith.constant dense<0.000000e+00> : vector<1024x4096xf32>
    %dot_general3A_14 = tpu.matmul %get3A_3, %get3A_8, %dot_general3A {dimension_numbers = #tpu.dot_dimension_numbers<[1], [0], [0], [1], [0, 0, 1, 1], [], []>, transpose_lhs_hint = false} : vector<1024x3xf32>, vector<3x4096xf32>, vector<1024x4096xf32> -> vector<1024x4096xf32>
    %add3A = vector.broadcast %broadcast_in_dim3A : vector<1024x1xf32> to vector<1024x4096xf32>
    %add3A_15 = vector.broadcast %broadcast_in_dim3A_13 : vector<1x4096xf32> to vector<1024x4096xf32>
    %add3A_16 = arith.addf %add3A, %add3A_15 : vector<1024x4096xf32>
    %mul3A_17 = arith.constant 2.000000e+00 : f32
    %mul3A_18 = vector.broadcast %mul3A_17 : f32 to vector<1024x4096xf32>
    %mul3A_19 = arith.mulf %mul3A_18, %dot_general3A_14 : vector<1024x4096xf32>
    %sub3A = arith.subf %add3A_16, %mul3A_19 : vector<1024x4096xf32>
    %reduce_min3A = arith.constant dense<0x7F800000> : vector<1024xf32>
    %reduce_min3A_20 = vector.multi_reduction <minimumf>, %sub3A, %reduce_min3A [1] : vector<1024x4096xf32> to vector<1024xf32>
    %broadcast_in_dim3A_21 = vector.shape_cast %reduce_min3A_20 : vector<1024xf32> to vector<1024x1xf32>
    %iota3A = tpu.iota {dimensions = array<i32: 1>} : vector<1024x4096xi32>
    %eq3A = vector.broadcast %broadcast_in_dim3A_21 : vector<1024x1xf32> to vector<1024x4096xf32>
    %eq3A_22 = arith.cmpf oeq, %sub3A, %eq3A : vector<1024x4096xf32>
    %jit3A = arith.constant 1073741824 : i32
    %broadcast_in_dim3A_23 = vector.broadcast %jit3A : i32 to vector<1024x4096xi32>
    %select_n3A = arith.select %eq3A_22, %iota3A, %broadcast_in_dim3A_23 : vector<1024x4096xi1>, vector<1024x4096xi32>
    %reduce_min3A_24 = arith.constant dense<2147483647> : vector<1024xi32>
    %reduce_min3A_25 = vector.multi_reduction <minsi>, %select_n3A, %reduce_min3A_24 [1] : vector<1024x4096xi32> to vector<1024xi32>
    %broadcast_in_dim3A_26 = vector.shape_cast %reduce_min3A_25 : vector<1024xi32> to vector<1024x1xi32>
    %mul3A_27 = arith.constant 4096 : i32
    %mul3A_28 = arith.muli %arg1, %mul3A_27 : i32
    %add3A_29 = vector.broadcast %mul3A_28 : i32 to vector<1024x1xi32>
    %add3A_30 = arith.addi %broadcast_in_dim3A_26, %add3A_29 : vector<1024x1xi32>
    %broadcast_in_dim3A_31 = vector.shape_cast %broadcast_in_dim3A_21 : vector<1024x1xf32> to vector<1024x1xf32>
    %broadcast_in_dim3A_32 = vector.broadcast %broadcast_in_dim3A_31 : vector<1024x1xf32> to vector<1024x128xf32>
    %broadcast_in_dim3A_33 = vector.shape_cast %add3A_30 : vector<1024x1xi32> to vector<1024x1xi32>
    %broadcast_in_dim3A_34 = vector.broadcast %broadcast_in_dim3A_33 : vector<1024x1xi32> to vector<1024x128xi32>
    %eq3A_35 = arith.constant 0 : i32
    %eq3A_36 = arith.cmpi eq, %arg1, %eq3A_35 : i32
    %eq3A_37 = arith.constant 2 : i32
    %eq3A_38 = arith.cmpi eq, %arg1, %eq3A_37 : i32
    %or3A = arith.ori %eq3A_36, %eq3A_38 : i1
    %convert_element_type3A = arith.extui %or3A : i1 to i32
    %cond3A = arith.constant 0 : i32
    %cond3A_39 = arith.cmpi ne, %convert_element_type3A, %cond3A : i32
    scf.if %cond3A_39 {
      %swap3A = arith.constant 0 : index
      %swap3A_56 = arith.constant 0 : index
      %swap3A_57 = vector.load %arg5[%swap3A, %swap3A_56] : memref<1024x128xf32, #tpu.memory_space<vmem>>, vector<1024x128xf32>
      tpu.vector_store %arg5[%swap3A, %swap3A_56], %broadcast_in_dim3A_32 {strides = array<i32>} : memref<1024x128xf32, #tpu.memory_space<vmem>>, vector<1024x128xf32>,
      %swap3A_58 = arith.constant 0 : index
      %swap3A_59 = arith.constant 0 : index
      %swap3A_60 = vector.load %arg6[%swap3A_58, %swap3A_59] : memref<1024x128xi32, #tpu.memory_space<vmem>>, vector<1024x128xi32>
      tpu.vector_store %arg6[%swap3A_58, %swap3A_59], %broadcast_in_dim3A_34 {strides = array<i32>} : memref<1024x128xi32, #tpu.memory_space<vmem>>, vector<1024x128xi32>,
    } else {
    }
    %ne3A = arith.constant 0 : i32
    %ne3A_40 = arith.cmpi ne, %arg1, %ne3A : i32
    %ne3A_41 = arith.constant 2 : i32
    %ne3A_42 = arith.cmpi ne, %arg1, %ne3A_41 : i32
    %and3A = arith.andi %ne3A_40, %ne3A_42 : i1
    %convert_element_type3A_43 = arith.extui %and3A : i1 to i32
    %cond3A_44 = arith.constant 0 : i32
    %cond3A_45 = arith.cmpi ne, %convert_element_type3A_43, %cond3A_44 : i32
    scf.if %cond3A_45 {
      %get3A_56 = arith.constant 0 : index
      %get3A_57 = arith.constant 0 : index
      %get3A_58 = vector.load %arg5[%get3A_56, %get3A_57] : memref<1024x128xf32, #tpu.memory_space<vmem>>, vector<1024x128xf32>
      %lt3A = arith.cmpf olt, %broadcast_in_dim3A_32, %get3A_58 : vector<1024x128xf32>
      %get3A_59 = arith.constant 0 : index
      %get3A_60 = arith.constant 0 : index
      %get3A_61 = vector.load %arg5[%get3A_59, %get3A_60] : memref<1024x128xf32, #tpu.memory_space<vmem>>, vector<1024x128xf32>
      %select_n3A_62 = arith.select %lt3A, %broadcast_in_dim3A_32, %get3A_61 : vector<1024x128xi1>, vector<1024x128xf32>
      %swap3A = arith.constant 0 : index
      %swap3A_63 = arith.constant 0 : index
      %swap3A_64 = vector.load %arg5[%swap3A, %swap3A_63] : memref<1024x128xf32, #tpu.memory_space<vmem>>, vector<1024x128xf32>
      tpu.vector_store %arg5[%swap3A, %swap3A_63], %select_n3A_62 {strides = array<i32>} : memref<1024x128xf32, #tpu.memory_space<vmem>>, vector<1024x128xf32>,
      %get3A_65 = arith.constant 0 : index
      %get3A_66 = arith.constant 0 : index
      %get3A_67 = vector.load %arg6[%get3A_65, %get3A_66] : memref<1024x128xi32, #tpu.memory_space<vmem>>, vector<1024x128xi32>
      %select_n3A_68 = arith.select %lt3A, %broadcast_in_dim3A_34, %get3A_67 : vector<1024x128xi1>, vector<1024x128xi32>
      %swap3A_69 = arith.constant 0 : index
      %swap3A_70 = arith.constant 0 : index
      %swap3A_71 = vector.load %arg6[%swap3A_69, %swap3A_70] : memref<1024x128xi32, #tpu.memory_space<vmem>>, vector<1024x128xi32>
      tpu.vector_store %arg6[%swap3A_69, %swap3A_70], %select_n3A_68 {strides = array<i32>} : memref<1024x128xi32, #tpu.memory_space<vmem>>, vector<1024x128xi32>,
    } else {
    }
    %eq3A_46 = arith.constant 1 : i32
    %eq3A_47 = arith.cmpi eq, %arg1, %eq3A_46 : i32
    %convert_element_type3A_48 = arith.extui %eq3A_47 : i1 to i32
    %cond3A_49 = arith.constant 0 : i32
    %cond3A_50 = arith.cmpi ne, %convert_element_type3A_48, %cond3A_49 : i32
    scf.if %cond3A_50 {
      %get3A_56 = arith.constant 0 : index
      %get3A_57 = arith.constant 0 : index
      %get3A_58 = vector.load %arg5[%get3A_56, %get3A_57] : memref<1024x128xf32, #tpu.memory_space<vmem>>, vector<1024x128xf32>
      %swap3A = arith.constant 0 : index
      %swap3A_59 = arith.constant 0 : index
      %swap3A_60 = vector.load %arg7[%swap3A, %swap3A_59] : memref<1024x128xf32, #tpu.memory_space<vmem>>, vector<1024x128xf32>
      tpu.vector_store %arg7[%swap3A, %swap3A_59], %get3A_58 {strides = array<i32>} : memref<1024x128xf32, #tpu.memory_space<vmem>>, vector<1024x128xf32>,
      %get3A_61 = arith.constant 0 : index
      %get3A_62 = arith.constant 0 : index
      %get3A_63 = vector.load %arg6[%get3A_61, %get3A_62] : memref<1024x128xi32, #tpu.memory_space<vmem>>, vector<1024x128xi32>
      %swap3A_64 = arith.constant 0 : index
      %swap3A_65 = arith.constant 0 : index
      %swap3A_66 = vector.load %arg8[%swap3A_64, %swap3A_65] : memref<1024x128xi32, #tpu.memory_space<vmem>>, vector<1024x128xi32>
      tpu.vector_store %arg8[%swap3A_64, %swap3A_65], %get3A_63 {strides = array<i32>} : memref<1024x128xi32, #tpu.memory_space<vmem>>, vector<1024x128xi32>,
    } else {
    }
    %eq3A_51 = arith.constant 3 : i32
    %eq3A_52 = arith.cmpi eq, %arg1, %eq3A_51 : i32
    %convert_element_type3A_53 = arith.extui %eq3A_52 : i1 to i32
    %cond3A_54 = arith.constant 0 : i32
    %cond3A_55 = arith.cmpi ne, %convert_element_type3A_53, %cond3A_54 : i32
    scf.if %cond3A_55 {
      %get3A_56 = arith.constant 0 : index
      %get3A_57 = arith.constant 0 : index
      %get3A_58 = vector.load %arg7[%get3A_56, %get3A_57] : memref<1024x128xf32, #tpu.memory_space<vmem>>, vector<1024x128xf32>
      %convert_element_type3A_59 = arith.truncf %get3A_58 : vector<1024x128xf32> to vector<1024x128xbf16>
      %convert_element_type3A_60 = arith.extf %convert_element_type3A_59 : vector<1024x128xbf16> to vector<1024x128xf32>
      %get3A_61 = arith.constant 0 : index
      %get3A_62 = arith.constant 0 : index
      %get3A_63 = vector.load %arg5[%get3A_61, %get3A_62] : memref<1024x128xf32, #tpu.memory_space<vmem>>, vector<1024x128xf32>
      %lt3A = arith.cmpf olt, %get3A_63, %convert_element_type3A_60 : vector<1024x128xf32>
      %get3A_64 = arith.constant 0 : index
      %get3A_65 = arith.constant 0 : index
      %get3A_66 = vector.load %arg6[%get3A_64, %get3A_65] : memref<1024x128xi32, #tpu.memory_space<vmem>>, vector<1024x128xi32>
      %get3A_67 = arith.constant 0 : index
      %get3A_68 = arith.constant 0 : index
      %get3A_69 = vector.load %arg8[%get3A_67, %get3A_68] : memref<1024x128xi32, #tpu.memory_space<vmem>>, vector<1024x128xi32>
      %select_n3A_70 = arith.select %lt3A, %get3A_66, %get3A_69 : vector<1024x128xi1>, vector<1024x128xi32>
      %slice3A = vector.extract_strided_slice %select_n3A_70 {offsets = [0, 0], sizes = [1024, 1], strides = [1, 1]} : vector<1024x128xi32> to vector<1024x1xi32>
      %mul3A_71 = arith.constant 16384 : i32
      %mul3A_72 = arith.muli %arg0, %mul3A_71 : i32
      %add3A_73 = vector.broadcast %mul3A_72 : i32 to vector<1024x1xi32>
      %add3A_74 = arith.addi %slice3A, %add3A_73 : vector<1024x1xi32>
      %swap3A = arith.constant 0 : index
      %swap3A_75 = arith.constant 0 : index
      %swap3A_76 = arith.constant 0 : index
      %swap3A_77 = vector.load %arg4[%swap3A, %swap3A_75, %swap3A_76] : memref<1x1024x1xi32, #tpu.memory_space<vmem>>, vector<1x1024x1xi32>
      %swap3A_78 = vector.shape_cast %swap3A_77 : vector<1x1024x1xi32> to vector<1024x1xi32>
      %swap3A_79 = vector.shape_cast %add3A_74 : vector<1024x1xi32> to vector<1x1024x1xi32>
      tpu.vector_store %arg4[%swap3A, %swap3A_75, %swap3A_76], %swap3A_79 {strides = array<i32>} : memref<1x1024x1xi32, #tpu.memory_space<vmem>>, vector<1x1024x1xi32>,
    } else {
    }
    return
  }
  func.func @transform_0(%arg0: i32, %arg1: i32) -> (i32, i32, i32) {
    %c0_i32 = arith.constant 0 : i32
    %c0_i32_0 = arith.constant 0 : i32
    %c0_i32_1 = arith.constant 0 : i32
    return %arg0, %c0_i32, %c0_i32_0 : i32, i32, i32
  }
  func.func @transform_1(%arg0: i32, %arg1: i32) -> (i32, i32, i32) {
    %c0_i32 = arith.constant 0 : i32
    %c0_i32_0 = arith.constant 0 : i32
    return %arg0, %c0_i32, %arg1 : i32, i32, i32
  }
  func.func @transform_2(%arg0: i32, %arg1: i32) -> (i32, i32, i32) {
    %c0_i32 = arith.constant 0 : i32
    %c0_i32_0 = arith.constant 0 : i32
    %c0_i32_1 = arith.constant 0 : i32
    return %arg0, %c0_i32, %c0_i32_0 : i32, i32, i32
  }
}

module attributes {stable_mosaic.version = 14 : i64} {
  func.func @_mlp_body(%arg0: i32, %arg1: i32, %arg2: memref<1x1024x64xf32, #tpu.memory_space<vmem>>, %arg3: memref<1x1024x16xf32, #tpu.memory_space<vmem>>, %arg4: memref<1024x64xf32, #tpu.memory_space<vmem>>, %arg5: memref<1024x16xf32, #tpu.memory_space<vmem>>, %arg6: memref<144x64xf32, #tpu.memory_space<vmem>>, %arg7: memref<64x64xf32, #tpu.memory_space<vmem>>, %arg8: memref<64x64xf32, #tpu.memory_space<vmem>>, %arg9: memref<1x64xf32, #tpu.memory_space<vmem>>, %arg10: memref<1x64xf32, #tpu.memory_space<vmem>>, %arg11: memref<1x64xf32, #tpu.memory_space<vmem>>, %arg12: memref<1x64xf32, #tpu.memory_space<vmem>>, %arg13: memref<1x64xf32, #tpu.memory_space<vmem>>, %arg14: memref<1x64xf32, #tpu.memory_space<vmem>>, %arg15: memref<1x64xf32, #tpu.memory_space<vmem>>, %arg16: memref<1024x64xf32, #tpu.memory_space<vmem>>, %arg17: memref<1024x64xf32, #tpu.memory_space<vmem>>) attributes {dimension_semantics = [#tpu.dimension_semantics<arbitrary>, #tpu.dimension_semantics<arbitrary>], iteration_bounds = array<i64: 4, 16>, scalar_prefetch = 0 : i64, scratch_operands = 1 : i64, tpu.core_type = #tpu.core_type<tc>, window_params = [{transform_indices = @transform_0, window_bounds = array<i64: 1, 1024, 64>}, {transform_indices = @transform_1, window_bounds = array<i64: 1, 1024, 16>}, {transform_indices = @transform_2, window_bounds = array<i64: 1024, 64>}, {transform_indices = @transform_3, window_bounds = array<i64: 1024, 16>}, {pipeline_mode = #tpu.pipeline_mode<synchronous>, transform_indices = @transform_4, window_bounds = array<i64: 144, 64>}, {pipeline_mode = #tpu.pipeline_mode<synchronous>, transform_indices = @transform_5, window_bounds = array<i64: 64, 64>}, {pipeline_mode = #tpu.pipeline_mode<synchronous>, transform_indices = @transform_6, window_bounds = array<i64: 64, 64>}, {pipeline_mode = #tpu.pipeline_mode<synchronous>, transform_indices = @transform_7, window_bounds = array<i64: 1, 64>}, {pipeline_mode = #tpu.pipeline_mode<synchronous>, transform_indices = @transform_8, window_bounds = array<i64: 1, 64>}, {pipeline_mode = #tpu.pipeline_mode<synchronous>, transform_indices = @transform_9, window_bounds = array<i64: 1, 64>}, {pipeline_mode = #tpu.pipeline_mode<synchronous>, transform_indices = @transform_10, window_bounds = array<i64: 1, 64>}, {pipeline_mode = #tpu.pipeline_mode<synchronous>, transform_indices = @transform_11, window_bounds = array<i64: 1, 64>}, {pipeline_mode = #tpu.pipeline_mode<synchronous>, transform_indices = @transform_12, window_bounds = array<i64: 1, 64>}, {pipeline_mode = #tpu.pipeline_mode<synchronous>, transform_indices = @transform_13, window_bounds = array<i64: 1, 64>}, {transform_indices = @transform_14, window_bounds = array<i64: 1024, 64>}]} {
    %eq3A = arith.constant 0 : i32
    %eq3A_0 = arith.cmpi eq, %arg1, %eq3A : i32
    %convert_element_type3A = arith.extui %eq3A_0 : i1 to i32
    %cond3A = arith.constant 0 : i32
    %cond3A_1 = arith.cmpi ne, %convert_element_type3A, %cond3A : i32
    scf.if %cond3A_1 {
      %broadcast_in_dim3A_117 = arith.constant 0.000000e+00 : f32
      %broadcast_in_dim3A_118 = vector.broadcast %broadcast_in_dim3A_117 : f32 to vector<1024x64xf32>
      %swap3A_119 = arith.constant 0 : index
      %swap3A_120 = arith.constant 0 : index
      %swap3A_121 = vector.load %arg17[%swap3A_119, %swap3A_120] : memref<1024x64xf32, #tpu.memory_space<vmem>>, vector<1024x64xf32>
      tpu.vector_store %arg17[%swap3A_119, %swap3A_120], %broadcast_in_dim3A_118 {strides = array<i32>} : memref<1024x64xf32, #tpu.memory_space<vmem>>, vector<1024x64xf32>,
    } else {
    }
    %get3A = arith.constant 0 : index
    %get3A_2 = arith.constant 0 : index
    %get3A_3 = vector.load %arg4[%get3A, %get3A_2] : memref<1024x64xf32, #tpu.memory_space<vmem>>, vector<1024x64xf32>
    %get3A_4 = arith.constant 0 : index
    %get3A_5 = arith.constant 0 : index
    %get3A_6 = arith.constant 0 : index
    %get3A_7 = vector.load %arg2[%get3A_4, %get3A_5, %get3A_6] : memref<1x1024x64xf32, #tpu.memory_space<vmem>>, vector<1x1024x64xf32>
    %get3A_8 = vector.shape_cast %get3A_7 : vector<1x1024x64xf32> to vector<1024x64xf32>
    %sub3A = arith.subf %get3A_8, %get3A_3 : vector<1024x64xf32>
    %get3A_9 = arith.constant 0 : index
    %get3A_10 = arith.constant 0 : index
    %get3A_11 = arith.constant 0 : index
    %get3A_12 = vector.load %arg3[%get3A_9, %get3A_10, %get3A_11] : memref<1x1024x16xf32, #tpu.memory_space<vmem>>, vector<1x1024x16xf32>
    %get3A_13 = vector.shape_cast %get3A_12 : vector<1x1024x16xf32> to vector<1024x16xf32>
    %get3A_14 = arith.constant 0 : index
    %get3A_15 = arith.constant 0 : index
    %get3A_16 = vector.load %arg5[%get3A_14, %get3A_15] : memref<1024x16xf32, #tpu.memory_space<vmem>>, vector<1024x16xf32>
    %sub3A_17 = arith.subf %get3A_13, %get3A_16 : vector<1024x16xf32>
    %concatenate3A = tpu.concatenate %get3A_3, %sub3A, %sub3A_17 in 1 : vector<1024x64xf32>, vector<1024x64xf32>, vector<1024x16xf32> -> vector<1024x144xf32>
    %get3A_18 = arith.constant 0 : index
    %get3A_19 = arith.constant 0 : index
    %get3A_20 = vector.load %arg6[%get3A_18, %get3A_19] : memref<144x64xf32, #tpu.memory_space<vmem>>, vector<144x64xf32>
    %dot_general3A = arith.constant dense<0.000000e+00> : vector<1024x64xf32>
    %dot_general3A_21 = tpu.matmul %concatenate3A, %get3A_20, %dot_general3A {dimension_numbers = #tpu.dot_dimension_numbers<[1], [0], [0], [1], [0, 0, 1, 1], [], []>, transpose_lhs_hint = false} : vector<1024x144xf32>, vector<144x64xf32>, vector<1024x64xf32> -> vector<1024x64xf32>
    %get3A_22 = arith.constant 0 : index
    %get3A_23 = arith.constant 0 : index
    %get3A_24 = vector.load %arg9[%get3A_22, %get3A_23] : memref<1x64xf32, #tpu.memory_space<vmem>>, vector<1x64xf32>
    %add3A = vector.broadcast %get3A_24 : vector<1x64xf32> to vector<1024x64xf32>
    %add3A_25 = arith.addf %dot_general3A_21, %add3A : vector<1024x64xf32>
    %logistic3A = arith.negf %add3A_25 : vector<1024x64xf32>
    %logistic3A_26 = math.exp %logistic3A : vector<1024x64xf32>
    %logistic3A_27 = arith.constant 1.000000e+00 : f32
    %logistic3A_28 = vector.broadcast %logistic3A_27 : f32 to vector<1024x64xf32>
    %logistic3A_29 = arith.addf %logistic3A_28, %logistic3A_26 : vector<1024x64xf32>
    %logistic3A_30 = arith.divf %logistic3A_28, %logistic3A_29 : vector<1024x64xf32>
    %mul3A = arith.mulf %add3A_25, %logistic3A_30 : vector<1024x64xf32>
    %get3A_31 = arith.constant 0 : index
    %get3A_32 = arith.constant 0 : index
    %get3A_33 = vector.load %arg10[%get3A_31, %get3A_32] : memref<1x64xf32, #tpu.memory_space<vmem>>, vector<1x64xf32>
    %get3A_34 = arith.constant 0 : index
    %get3A_35 = arith.constant 0 : index
    %get3A_36 = vector.load %arg11[%get3A_34, %get3A_35] : memref<1x64xf32, #tpu.memory_space<vmem>>, vector<1x64xf32>
    %reduce_sum3A = arith.constant dense<0.000000e+00> : vector<1024xf32>
    %reduce_sum3A_37 = vector.multi_reduction <add>, %mul3A, %reduce_sum3A [1] : vector<1024x64xf32> to vector<1024xf32>
    %broadcast_in_dim3A = vector.shape_cast %reduce_sum3A_37 : vector<1024xf32> to vector<1024x1xf32>
    %div3A = arith.constant 6.400000e+01 : f32
    %div3A_38 = vector.broadcast %div3A : f32 to vector<1024x1xf32>
    %div3A_39 = arith.divf %broadcast_in_dim3A, %div3A_38 : vector<1024x1xf32>
    %sub3A_40 = vector.broadcast %div3A_39 : vector<1024x1xf32> to vector<1024x64xf32>
    %sub3A_41 = arith.subf %mul3A, %sub3A_40 : vector<1024x64xf32>
    %mul3A_42 = arith.mulf %sub3A_41, %sub3A_41 : vector<1024x64xf32>
    %reduce_sum3A_43 = arith.constant dense<0.000000e+00> : vector<1024xf32>
    %reduce_sum3A_44 = vector.multi_reduction <add>, %mul3A_42, %reduce_sum3A_43 [1] : vector<1024x64xf32> to vector<1024xf32>
    %broadcast_in_dim3A_45 = vector.shape_cast %reduce_sum3A_44 : vector<1024xf32> to vector<1024x1xf32>
    %div3A_46 = arith.constant 6.400000e+01 : f32
    %div3A_47 = vector.broadcast %div3A_46 : f32 to vector<1024x1xf32>
    %div3A_48 = arith.divf %broadcast_in_dim3A_45, %div3A_47 : vector<1024x1xf32>
    %add3A_49 = arith.constant 9.99999974E-6 : f32
    %add3A_50 = vector.broadcast %add3A_49 : f32 to vector<1024x1xf32>
    %add3A_51 = arith.addf %div3A_48, %add3A_50 : vector<1024x1xf32>
    %sqrt3A = math.sqrt %add3A_51 : vector<1024x1xf32>
    %div3A_52 = vector.broadcast %sqrt3A : vector<1024x1xf32> to vector<1024x64xf32>
    %div3A_53 = arith.divf %sub3A_41, %div3A_52 : vector<1024x64xf32>
    %mul3A_54 = vector.broadcast %get3A_33 : vector<1x64xf32> to vector<1024x64xf32>
    %mul3A_55 = arith.mulf %div3A_53, %mul3A_54 : vector<1024x64xf32>
    %add3A_56 = vector.broadcast %get3A_36 : vector<1x64xf32> to vector<1024x64xf32>
    %add3A_57 = arith.addf %mul3A_55, %add3A_56 : vector<1024x64xf32>
    %get3A_58 = arith.constant 0 : index
    %get3A_59 = arith.constant 0 : index
    %get3A_60 = vector.load %arg7[%get3A_58, %get3A_59] : memref<64x64xf32, #tpu.memory_space<vmem>>, vector<64x64xf32>
    %dot_general3A_61 = arith.constant dense<0.000000e+00> : vector<1024x64xf32>
    %dot_general3A_62 = tpu.matmul %add3A_57, %get3A_60, %dot_general3A_61 {dimension_numbers = #tpu.dot_dimension_numbers<[1], [0], [0], [1], [0, 0, 1, 1], [], []>, transpose_lhs_hint = false} : vector<1024x64xf32>, vector<64x64xf32>, vector<1024x64xf32> -> vector<1024x64xf32>
    %get3A_63 = arith.constant 0 : index
    %get3A_64 = arith.constant 0 : index
    %get3A_65 = vector.load %arg12[%get3A_63, %get3A_64] : memref<1x64xf32, #tpu.memory_space<vmem>>, vector<1x64xf32>
    %add3A_66 = vector.broadcast %get3A_65 : vector<1x64xf32> to vector<1024x64xf32>
    %add3A_67 = arith.addf %dot_general3A_62, %add3A_66 : vector<1024x64xf32>
    %logistic3A_68 = arith.negf %add3A_67 : vector<1024x64xf32>
    %logistic3A_69 = math.exp %logistic3A_68 : vector<1024x64xf32>
    %logistic3A_70 = arith.constant 1.000000e+00 : f32
    %logistic3A_71 = vector.broadcast %logistic3A_70 : f32 to vector<1024x64xf32>
    %logistic3A_72 = arith.addf %logistic3A_71, %logistic3A_69 : vector<1024x64xf32>
    %logistic3A_73 = arith.divf %logistic3A_71, %logistic3A_72 : vector<1024x64xf32>
    %mul3A_74 = arith.mulf %add3A_67, %logistic3A_73 : vector<1024x64xf32>
    %get3A_75 = arith.constant 0 : index
    %get3A_76 = arith.constant 0 : index
    %get3A_77 = vector.load %arg13[%get3A_75, %get3A_76] : memref<1x64xf32, #tpu.memory_space<vmem>>, vector<1x64xf32>
    %get3A_78 = arith.constant 0 : index
    %get3A_79 = arith.constant 0 : index
    %get3A_80 = vector.load %arg14[%get3A_78, %get3A_79] : memref<1x64xf32, #tpu.memory_space<vmem>>, vector<1x64xf32>
    %reduce_sum3A_81 = arith.constant dense<0.000000e+00> : vector<1024xf32>
    %reduce_sum3A_82 = vector.multi_reduction <add>, %mul3A_74, %reduce_sum3A_81 [1] : vector<1024x64xf32> to vector<1024xf32>
    %broadcast_in_dim3A_83 = vector.shape_cast %reduce_sum3A_82 : vector<1024xf32> to vector<1024x1xf32>
    %div3A_84 = arith.constant 6.400000e+01 : f32
    %div3A_85 = vector.broadcast %div3A_84 : f32 to vector<1024x1xf32>
    %div3A_86 = arith.divf %broadcast_in_dim3A_83, %div3A_85 : vector<1024x1xf32>
    %sub3A_87 = vector.broadcast %div3A_86 : vector<1024x1xf32> to vector<1024x64xf32>
    %sub3A_88 = arith.subf %mul3A_74, %sub3A_87 : vector<1024x64xf32>
    %mul3A_89 = arith.mulf %sub3A_88, %sub3A_88 : vector<1024x64xf32>
    %reduce_sum3A_90 = arith.constant dense<0.000000e+00> : vector<1024xf32>
    %reduce_sum3A_91 = vector.multi_reduction <add>, %mul3A_89, %reduce_sum3A_90 [1] : vector<1024x64xf32> to vector<1024xf32>
    %broadcast_in_dim3A_92 = vector.shape_cast %reduce_sum3A_91 : vector<1024xf32> to vector<1024x1xf32>
    %div3A_93 = arith.constant 6.400000e+01 : f32
    %div3A_94 = vector.broadcast %div3A_93 : f32 to vector<1024x1xf32>
    %div3A_95 = arith.divf %broadcast_in_dim3A_92, %div3A_94 : vector<1024x1xf32>
    %add3A_96 = arith.constant 9.99999974E-6 : f32
    %add3A_97 = vector.broadcast %add3A_96 : f32 to vector<1024x1xf32>
    %add3A_98 = arith.addf %div3A_95, %add3A_97 : vector<1024x1xf32>
    %sqrt3A_99 = math.sqrt %add3A_98 : vector<1024x1xf32>
    %div3A_100 = vector.broadcast %sqrt3A_99 : vector<1024x1xf32> to vector<1024x64xf32>
    %div3A_101 = arith.divf %sub3A_88, %div3A_100 : vector<1024x64xf32>
    %mul3A_102 = vector.broadcast %get3A_77 : vector<1x64xf32> to vector<1024x64xf32>
    %mul3A_103 = arith.mulf %div3A_101, %mul3A_102 : vector<1024x64xf32>
    %add3A_104 = vector.broadcast %get3A_80 : vector<1x64xf32> to vector<1024x64xf32>
    %add3A_105 = arith.addf %mul3A_103, %add3A_104 : vector<1024x64xf32>
    %get3A_106 = arith.constant 0 : index
    %get3A_107 = arith.constant 0 : index
    %get3A_108 = vector.load %arg17[%get3A_106, %get3A_107] : memref<1024x64xf32, #tpu.memory_space<vmem>>, vector<1024x64xf32>
    %add3A_109 = arith.addf %get3A_108, %add3A_105 : vector<1024x64xf32>
    %swap3A = arith.constant 0 : index
    %swap3A_110 = arith.constant 0 : index
    %swap3A_111 = vector.load %arg17[%swap3A, %swap3A_110] : memref<1024x64xf32, #tpu.memory_space<vmem>>, vector<1024x64xf32>
    tpu.vector_store %arg17[%swap3A, %swap3A_110], %add3A_109 {strides = array<i32>} : memref<1024x64xf32, #tpu.memory_space<vmem>>, vector<1024x64xf32>,
    %eq3A_112 = arith.constant 15 : i32
    %eq3A_113 = arith.cmpi eq, %arg1, %eq3A_112 : i32
    %convert_element_type3A_114 = arith.extui %eq3A_113 : i1 to i32
    %cond3A_115 = arith.constant 0 : i32
    %cond3A_116 = arith.cmpi ne, %convert_element_type3A_114, %cond3A_115 : i32
    scf.if %cond3A_116 {
      %get3A_117 = arith.constant 0 : index
      %get3A_118 = arith.constant 0 : index
      %get3A_119 = vector.load %arg17[%get3A_117, %get3A_118] : memref<1024x64xf32, #tpu.memory_space<vmem>>, vector<1024x64xf32>
      %mul3A_120 = arith.constant 6.250000e-02 : f32
      %mul3A_121 = vector.broadcast %mul3A_120 : f32 to vector<1024x64xf32>
      %mul3A_122 = arith.mulf %get3A_119, %mul3A_121 : vector<1024x64xf32>
      %get3A_123 = arith.constant 0 : index
      %get3A_124 = arith.constant 0 : index
      %get3A_125 = vector.load %arg8[%get3A_123, %get3A_124] : memref<64x64xf32, #tpu.memory_space<vmem>>, vector<64x64xf32>
      %dot_general3A_126 = arith.constant dense<0.000000e+00> : vector<1024x64xf32>
      %dot_general3A_127 = tpu.matmul %mul3A_122, %get3A_125, %dot_general3A_126 {dimension_numbers = #tpu.dot_dimension_numbers<[1], [0], [0], [1], [0, 0, 1, 1], [], []>, transpose_lhs_hint = false} : vector<1024x64xf32>, vector<64x64xf32>, vector<1024x64xf32> -> vector<1024x64xf32>
      %get3A_128 = arith.constant 0 : index
      %get3A_129 = arith.constant 0 : index
      %get3A_130 = vector.load %arg15[%get3A_128, %get3A_129] : memref<1x64xf32, #tpu.memory_space<vmem>>, vector<1x64xf32>
      %add3A_131 = vector.broadcast %get3A_130 : vector<1x64xf32> to vector<1024x64xf32>
      %add3A_132 = arith.addf %dot_general3A_127, %add3A_131 : vector<1024x64xf32>
      %swap3A_133 = arith.constant 0 : index
      %swap3A_134 = arith.constant 0 : index
      %swap3A_135 = vector.load %arg16[%swap3A_133, %swap3A_134] : memref<1024x64xf32, #tpu.memory_space<vmem>>, vector<1024x64xf32>
      tpu.vector_store %arg16[%swap3A_133, %swap3A_134], %add3A_132 {strides = array<i32>} : memref<1024x64xf32, #tpu.memory_space<vmem>>, vector<1024x64xf32>,
    } else {
    }
    return
  }
  func.func @transform_0(%arg0: i32, %arg1: i32) -> (i32, i32, i32) {
    %c0_i32 = arith.constant 0 : i32
    %c0_i32_0 = arith.constant 0 : i32
    return %arg1, %arg0, %c0_i32 : i32, i32, i32
  }
  func.func @transform_1(%arg0: i32, %arg1: i32) -> (i32, i32, i32) {
    %c0_i32 = arith.constant 0 : i32
    %c0_i32_0 = arith.constant 0 : i32
    return %arg1, %arg0, %c0_i32 : i32, i32, i32
  }
  func.func @transform_2(%arg0: i32, %arg1: i32) -> (i32, i32) {
    %c0_i32 = arith.constant 0 : i32
    %c0_i32_0 = arith.constant 0 : i32
    return %arg0, %c0_i32 : i32, i32
  }
  func.func @transform_3(%arg0: i32, %arg1: i32) -> (i32, i32) {
    %c0_i32 = arith.constant 0 : i32
    %c0_i32_0 = arith.constant 0 : i32
    return %arg0, %c0_i32 : i32, i32
  }
  func.func @transform_4(%arg0: i32, %arg1: i32) -> (i32, i32) {
    %c0_i32 = arith.constant 0 : i32
    %c0_i32_0 = arith.constant 0 : i32
    %c0_i32_1 = arith.constant 0 : i32
    return %c0_i32, %c0_i32_0 : i32, i32
  }
  func.func @transform_5(%arg0: i32, %arg1: i32) -> (i32, i32) {
    %c0_i32 = arith.constant 0 : i32
    %c0_i32_0 = arith.constant 0 : i32
    %c0_i32_1 = arith.constant 0 : i32
    return %c0_i32, %c0_i32_0 : i32, i32
  }
  func.func @transform_6(%arg0: i32, %arg1: i32) -> (i32, i32) {
    %c0_i32 = arith.constant 0 : i32
    %c0_i32_0 = arith.constant 0 : i32
    %c0_i32_1 = arith.constant 0 : i32
    return %c0_i32, %c0_i32_0 : i32, i32
  }
  func.func @transform_7(%arg0: i32, %arg1: i32) -> (i32, i32) {
    %c0_i32 = arith.constant 0 : i32
    %c0_i32_0 = arith.constant 0 : i32
    %c0_i32_1 = arith.constant 0 : i32
    return %c0_i32, %c0_i32_0 : i32, i32
  }
  func.func @transform_8(%arg0: i32, %arg1: i32) -> (i32, i32) {
    %c0_i32 = arith.constant 0 : i32
    %c0_i32_0 = arith.constant 0 : i32
    %c0_i32_1 = arith.constant 0 : i32
    return %c0_i32, %c0_i32_0 : i32, i32
  }
  func.func @transform_9(%arg0: i32, %arg1: i32) -> (i32, i32) {
    %c0_i32 = arith.constant 0 : i32
    %c0_i32_0 = arith.constant 0 : i32
    %c0_i32_1 = arith.constant 0 : i32
    return %c0_i32, %c0_i32_0 : i32, i32
  }
  func.func @transform_10(%arg0: i32, %arg1: i32) -> (i32, i32) {
    %c0_i32 = arith.constant 0 : i32
    %c0_i32_0 = arith.constant 0 : i32
    %c0_i32_1 = arith.constant 0 : i32
    return %c0_i32, %c0_i32_0 : i32, i32
  }
  func.func @transform_11(%arg0: i32, %arg1: i32) -> (i32, i32) {
    %c0_i32 = arith.constant 0 : i32
    %c0_i32_0 = arith.constant 0 : i32
    %c0_i32_1 = arith.constant 0 : i32
    return %c0_i32, %c0_i32_0 : i32, i32
  }
  func.func @transform_12(%arg0: i32, %arg1: i32) -> (i32, i32) {
    %c0_i32 = arith.constant 0 : i32
    %c0_i32_0 = arith.constant 0 : i32
    %c0_i32_1 = arith.constant 0 : i32
    return %c0_i32, %c0_i32_0 : i32, i32
  }
  func.func @transform_13(%arg0: i32, %arg1: i32) -> (i32, i32) {
    %c0_i32 = arith.constant 0 : i32
    %c0_i32_0 = arith.constant 0 : i32
    %c0_i32_1 = arith.constant 0 : i32
    return %c0_i32, %c0_i32_0 : i32, i32
  }
  func.func @transform_14(%arg0: i32, %arg1: i32) -> (i32, i32) {
    %c0_i32 = arith.constant 0 : i32
    %c0_i32_0 = arith.constant 0 : i32
    return %arg0, %c0_i32 : i32, i32
  }
}

</mosaic_0001>

<sc_bundles>
// kernel: kernel.6.cloned.1.call-start
scs
__scs_entry_jumppad:
0x0: {  	(pc) =	sbr.rel $0x88, $3  }
0x1: {  	(tag) =	ssettag $0x0;
	lr =	simm.s32 $0x1  }
0x2: {  	[smem:$0x3F93] =	sst lr;
	_ =	strace $0xD0000000  }
0x3: {  	_ = 	snop  }
0x4: {  	_ = 	snop  }
0x5: {  	_ = 	snop  }
0x6: {  	_ = 	snop  }
0x7: {  	_ = 	snop  }
__scs_overlays_trampoline_lowered:
0x8: {  	[smem:$0x3FA2] =	sst s0  }
0x9: {  	[smem:$0x3FA3] =	sst s1  }
0xa: {  	[smem:$0x3FA4] =	sst s2  }
0xb: {  	[smem:$0x3FA5] =	sst s3  }
0xc: {  	[smem:$0x3FA6] =	sst s4  }
0xd: {  	[smem:$0x3FA7] =	sst s5  }
0xe: {  	[smem:$0x3FA8] =	sst s6  }
0xf: {  	[smem:$0x3FA9] =	sst s7  }
0x10: {  	[smem:$0x3FAA] =	sst s8  }
0x11: {  	[smem:$0x3FAB] =	sst s9;
	s0 =	simm.s32 @!p0 $0x0  }
0x12: {  	s1 =	sld [smem:$0x3F91];
	s0 =	simm.s32 @p0 $0x1  }
0x13: {  	[smem:$0x3FAC] =	sst s0;
	s0 =	simm.s32 @!p1 $0x0  }
0x14: {  	s2 =	sld [smem:$0x3F90];
	s0 =	simm.s32 @p1 $0x1  }
0x15: {  	[smem:$0x3FAD] =	sst s0;
	s0 =	simm.s32 @!p2 $0x0  }
0x16: {  	s3 =	sld [smem:$0x3FDB];
	s0 =	simm.s32 @p2 $0x1  }
0x17: {  	s4 =	simm.s32 $0x1BF5;
	[smem:$0x3FAF] =	sst s0  }
0x18: {  	s0 =	sld [smem:$0x3F92];
	_ =	swait.ge [sflag:s4], $0x0  }
0x19: {  	s7 =	sld [smem:$0x3F93]  }
0x1a: {  	s8 =	sadd.s32 $0xFFFFE003, lr  }
0x1b: {  	s9 =	sadd.s32 $0xFFFFFEF7, lr;
	s5 =	simm.s32 $0xFFFFFFFF;
	p2 =	slt.u32 s8, $0xFFFFF086  }
0x1c: {  	p1 =	slt.u32 s9, $0xF7A;
	s5 =	simm.s32 @!p2 $0x0  }
0x1d: {  	s5 =	simm.s32 @p1 $0x1;
	p0 =	seq.s32 s7, s2  }
0x1e: {  	s7 =	smul.u32 @!p0 $0xF7A, s2;
	p2 =	seq.s32 @!p0 s5, $0x0  }
0x1f: {  	s9 =	smul.u32 $0xF7A, s1;
	s8 =	simm.s32 @!p0 $0x1BF5;
	p2 =	por !p2, p0  }
0x20: {  	[sflag:s8] =	ssyncset.s32 @!p0 $0xFFFFF086;
	s6 =	sadd.s32 @!p0 s3, s7;
	s7 =	simm.s32 @!p0 $0x108  }
0x21: {  	s3 =	sadd.s32 s3, s9;
	s6 =	sadd.s32 @!p0 $0x88, s6;
	s7 =	simm.s32 @p2 $0x1082  }
0x22: {  	[simem:s7], [sflag:s8] =	dma.local @!p0 [hbm:s6], $0xF7A  }
0x23: {  	s9 =	sor.u32 $0xD0000000, s2;
	s6 =	simm.s32 $0x108;
	_ =	swait.ge @!p0 [sflag:s8], $0x0  }
0x24: {  	s3 =	sadd.s32 $0x88, s3;
	s6 =	simm.s32 @!p1 $0x1082;
	[sflag:s4] =	ssyncset.s32 $0xFFFFF086  }
0x25: {  	[simem:s6], [sflag:s4] =	dma.local [hbm:s3], $0xF7A  }
0x26: {  	[smem:$0x3F93] =	sst s1;
	(tag) =	ssettag s2;
	_ =	strace s9  }
0x27: {  	s1 =	sld [smem:$0x3FA3]  }
0x28: {  	s2 =	sld [smem:$0x3FA4]  }
0x29: {  	s4 =	sld [smem:$0x3FA6]  }
0x2a: {  	p0 =	seq.s32 s5, $0x0;
	s5 =	sld [smem:$0x3FA7]  }
0x2b: {  	s6 =	sld [smem:$0x3FA8]  }
0x2c: {  	s7 =	sld [smem:$0x3FA9]  }
0x2d: {  	s3 =	simm.s32 $0x108;
	s8 =	sld [smem:$0x3FAA]  }
0x2e: {  	s3 =	simm.s32 @!p0 $0x1082;
	s9 =	sld [smem:$0x3FAB]  }
0x2f: {  	lr =	sadd.s32 s0, s3;
	s0 =	sld [smem:$0x3FA2]  }
0x30: {  	s3 =	sld [smem:$0x3FA5]  }
0x31: {  	[smem:$0x3FAE] =	sst s10  }
0x32: {  	s10 =	sld [smem:$0x3FAC];
	_ =	sdelay $0x3  }
0x33: {  	p0 =	seq.s32 s10, $0x1;
	s10 =	sld [smem:$0x3FAE];
	_ =	sdelay $0x3  }
0x34: {  	[smem:$0x3FAE] =	sst s10  }
0x35: {  	s10 =	sld [smem:$0x3FAD];
	_ =	sdelay $0x3  }
0x36: {  	p1 =	seq.s32 s10, $0x1;
	s10 =	sld [smem:$0x3FAE];
	_ =	sdelay $0x3  }
0x37: {  	[smem:$0x3FAE] =	sst s10  }
0x38: {  	s10 =	sld [smem:$0x3FAF]  }
0x39: {  	_ = 	snop;
	(pc) =	sbr.ind lr, $3  }
0x3a: {  	_ = 	snop  }
0x3b: {  	_ = 	snop  }
0x3c: {  	p2 =	seq.s32 s10, $0x1;
	s10 =	sld [smem:$0x3FAE]  }
0x3d: {  	_ =	shalt  }
0x3e: {  	_ =	shalt  }
0x3f: {  	_ =	shalt  }
0x40: {  	_ =	shalt  }
0x41: {  	_ =	shalt  }
0x42: {  	_ =	shalt  }
0x43: {  	_ =	shalt  }
0x44: {  	_ =	shalt  }
0x45: {  	_ =	shalt  }
0x46: {  	_ =	shalt  }
0x47: {  	_ =	shalt  }
0x48: {  	_ =	shalt  }
0x49: {  	_ =	shalt  }
0x4a: {  	_ =	shalt  }
0x4b: {  	_ =	shalt  }
0x4c: {  	_ =	shalt  }
0x4d: {  	_ =	shalt  }
0x4e: {  	_ =	shalt  }
0x4f: {  	_ =	shalt  }
0x50: {  	_ =	shalt  }
0x51: {  	_ =	shalt  }
0x52: {  	_ =	shalt  }
0x53: {  	_ =	shalt  }
0x54: {  	_ =	shalt  }
0x55: {  	_ =	shalt  }
0x56: {  	_ =	shalt  }
0x57: {  	_ =	shalt  }
0x58: {  	_ =	shalt  }
0x59: {  	_ =	shalt  }
0x5a: {  	_ =	shalt  }
0x5b: {  	_ =	shalt  }
0x5c: {  	_ =	shalt  }
0x5d: {  	_ =	shalt  }
0x5e: {  	_ =	shalt  }
0x5f: {  	_ =	shalt  }
0x60: {  	_ =	shalt  }
0x61: {  	_ =	shalt  }
0x62: {  	_ =	shalt  }
0x63: {  	_ =	shalt  }
0x64: {  	_ =	shalt  }
0x65: {  	_ =	shalt  }
0x66: {  	_ =	shalt  }
0x67: {  	_ =	shalt  }
0x68: {  	_ =	shalt  }
0x69: {  	_ =	shalt  }
0x6a: {  	_ =	shalt  }
0x6b: {  	_ =	shalt  }
0x6c: {  	_ =	shalt  }
0x6d: {  	_ =	shalt  }
0x6e: {  	_ =	shalt  }
0x6f: {  	_ =	shalt  }
0x70: {  	_ =	shalt  }
0x71: {  	_ =	shalt  }
0x72: {  	_ =	shalt  }
0x73: {  	_ =	shalt  }
0x74: {  	_ =	shalt  }
0x75: {  	_ =	shalt  }
0x76: {  	_ =	shalt  }
0x77: {  	_ =	shalt  }
0x78: {  	_ =	shalt  }
0x79: {  	_ =	shalt  }
0x7a: {  	_ =	shalt  }
0x7b: {  	_ =	shalt  }
0x7c: {  	_ =	shalt  }
0x7d: {  	_ =	shalt  }
0x7e: {  	_ =	shalt  }
0x7f: {  	_ =	shalt  }
0x80: {  	_ =	shalt  }
0x81: {  	_ =	shalt  }
0x82: {  	_ =	shalt  }
0x83: {  	_ =	shalt  }
0x84: {  	_ =	shalt  }
0x85: {  	_ =	shalt  }
0x86: {  	_ =	shalt  }
0x87: {  	_ =	shalt  }
.Lfunc_end0:
.L_simem_size_0:
called_computation_lowered:
.L_overlay_start_0:
0x88: {  	s2 =	sld [smem:$0x3FD9]  }
0x89: {  	s3 =	sld [smem:$0x3FFE];
	_ =	sdelay $0x1  }
0x8a: {  	s1 =	srdreg.scid  }
0x8b: {  	s0 =	sand.u32 $0x1, s1  }
0x8c: {  	s17 =	sshll.u32 s0, $0xA;
	s2 =	sadd.s32 s3, s2  }
0x8d: {  	s2 =	sadd.s32 s2, s17  }
0x8e: {  	[smem:$0x3FBA] =	sst s2  }
0x8f: {  	_ = 	snop  }
0x90: {  	(tm) =	ssettm $0x1  }
0x91: {  	s18 =	sld [smem:$0x3FFB];
	_ =	sdelay $0x3  }
0x92: {  	_ =	strace s18  }
0x93: {  	s2 =	sld [smem:$0x3FFC];
	_ =	sdelay $0x3  }
0x94: {  	_ =	strace s2  }
0x95: {  	s2 =	sld [smem:$0x3FFD];
	_ =	sdelay $0x3  }
0x96: {  	_ =	strace s2  }
0x97: {  	_ =	strace $0x8FFFFFFF  }
0x98: {  	s19 =	sld [smem:$0x3FDB];
	_ =	sdelay $0x1  }
0x99: {  	s20 =	simm.s32 $_scs_section_size  }
0x9a: {  	s4 =	simm.s32 $_size__tile_overlayer_lowered;
	s5 =	simm.s32 $_tile_overlayer_lowered  }
0x9b: {  	s6 =	simm.s32 $0x1BFF;
	s21 =	sshll.u32 s5, $0x1;
	s3 =	sadd.s32 s20, s19  }
0x9c: {  	s22 =	simm.s32 $0x0;
	s4 =	sshll.u32 s4, $0x1;
	s5 =	sadd.s32 s21, s3  }
0x9d: {  	[timem:s22], [sflag:s6] =	dma.local [hbm:s5], s4  }
0x9e: {  	_ =	swait.ge [sflag:s6], s4  }
0x9f: {  	s4 =	ssub.s32 $0x0, s4;
	[sflag:s6] =	ssyncset.done $0x0  }
0xa0: {  	[sflag:s6] =	ssyncadd.s32 s4;
	_ =	sdelay $0x1  }
0xa1: {  	s23 =	simm.s32 $0x1B8B  }
0xa2: {  	_ =	swait.ge [sflag:s23], $0x1  }
0xa3: {  	[sflag:s23] =	ssyncset.done $0x0  }
0xa4: {  	[sflag:s23] =	ssyncadd.s32 $0xFFFFFFFF  }
0xa5: {  	s4 =	sld [smem:$0x0]  }
0xa6: {  	s5 =	sand.u32 $0xFFFFFFFE, s1  }
0xa7: {  	p0 =	sne.s32 s1, s5  }
0xa8: {  	s5 =	sshll.u32 @p0 s5, $0xE  }
0xa9: {  	s5 =	sadd.s32 @p0 $0x11B8D, s5;
	s6 =	sshll.u32 @p0 s4, $0x11  }
0xaa: {  	s5 =	sor.u32 @p0 s6, s5  }
0xab: {  	[sflag:s5] =	ssyncadd.remote.s32 @p0 $0x1;
	_ =	sdelay $0x1  }
0xac: {  	s5 =	simm.s32 @p0 $0x1B8D  }
0xad: {  	_ =	swait.eq @p0 [sflag:s5], $0x1  }
0xae: {  	[sflag:s5] =	ssyncadd.s32 @p0 $0xFFFFFFFF  }
0xaf: {  	s6 =	sshll.u32 @!p0 s1, $0xE  }
0xb0: {  	s6 =	sor.u32 @!p0 $0x4000, s6;
	s5 =	simm.s32 @!p0 $0x1B8D  }
0xb1: {  	s4 =	sshll.u32 @!p0 s4, $0x11;
	s6 =	sadd.s32 @!p0 $0x11B8D, s6;
	_ =	swait.eq @!p0 [sflag:s5], $0x1  }
0xb2: {  	s4 =	sor.u32 @!p0 s4, s6;
	[sflag:s5] =	ssyncadd.s32 @!p0 $0xFFFFFFFF  }
0xb3: {  	s25 =	simm.s32 $0x1B8E;
	s24 =	sld [smem:$0x3FFE];
	[sflag:s4] =	ssyncadd.remote.s32 @!p0 $0x1  }
0xb4: {  	s26 =	simm.s32 $execute0_lowered;
	[smem:$0x3FD2] =	sst s25  }
0xb5: {  	s5 =	sshll.u32 s26, $0x1;
	_ =	strace $0x80000049;
	[dreg:$0x1] =	wrdreg $0xFFFFFFFF  }
0xb6: {  	s28 =	simm.s32 $_size_execute0_lowered;
	s3 =	sadd.s32 s3, s5;
	[dreg:$0x0] =	wrdreg $0x0  }
0xb7: {  	s5 =	sshll.u32 s28, $0x1;
	[dreg:$0x2] =	wrdreg s3  }
0xb8: {  	[dreg:$0x3] =	wrdreg s5  }
0xb9: {  	[dreg:$0x4] =	wrdreg $0xC0  }
0xba: {  	_ =	task [dreg:s22], $0x5FFFF  }
0xbb: {  	[dreg:$0x1] =	wrdreg $0xFFFFFFFF  }
0xbc: {  	[dreg:$0x0] =	wrdreg $0x60  }
0xbd: {  	[dreg:$0x2] =	wrdreg s24  }
0xbe: {  	[dreg:$0x3] =	wrdreg $0x9  }
0xbf: {  	_ =	task.clear_ibuf [dreg:s22], $0x4FFFF;
	_ =	strace $0x90000049  }
0xc0: {  	s29 =	simm.s32 $0x9;
	_ =	strace $0x8000004B  }
0xc1: {  	_ =	swait.ge [sflag:s29], $0x1  }
0xc2: {  	[sflag:s29] =	ssyncadd.s32 $0xFFFFFFFF  }
0xc3: {  	_ =	strace $0x9000004B  }
0xc4: {  	_ =	sfence  }
0xc5: {  	s30 =	sld [smem:$0x0];
	_ =	sdelay $0x2  }
0xc6: {  	s31 =	sshll.u32 s1, $0xD;
	s1 =	sshrl.u32 s1, $0x2  }
0xc7: {  	s4 =	sand.u32 $0x4000, s31;
	s1 =	sadd.s32 s1, s30  }
0xc8: {  	s0 =	sor.u32 s4, s0;
	s1 =	sshll.u32 s1, $0x11  }
0xc9: {  	s0 =	sor.u32 s1, s0  }
0xca: {  	s0 =	sadd.s32 $0x8F2B, s0  }
0xcb: {  	[sflag:s0] =	ssyncadd.remote.s32 $0x1  }
0xcc: {  	_ =	sfence.sel $0xFFFF  }
0xcd: {  	[dreg:$0x0] =	wrdreg $0xFFFFFFFF;
	(pc) =	sbr.abs _section_cstart, $3  }
0xce: {  	[dreg:$0x1] =	wrdreg $0xFFFFFFFF  }
0xcf: {  	_ =	task.clear_ibuf [dreg:s22], $0x2FFFF;
	_ =	strace $0x9FFFFFFF  }
0xd0: {  	(tm) =	ssettm $0x7FFFFFFF  }
0xd1: {  	_ =	shalt  }
tec
execute0_lowered:
.L_overlay_start_1:
0x0: {  	(tag) =	ssettag $0x1  }
0x1: {  	s0 =	rddreg [dreg:$0x0]  }
0x2: {  	s1 =	srdreg.scid;
	s3 =	stileid.u32;
	s2 =	simm.s32 $0x0  }
0x3: {  	s10 =	simm.s32 $0x80;
	p0 =	por $0x0, $0x0;
	s20 =	simm.s32 $0x400  }
0x4: {  	s19 =	simm.s32 $0x480;
	s15 =	simm.s32 $0x580;
	s13 =	simm.s32 $0x680  }
0x5: {  	s11 =	simm.s32 $0x780;
	s1 =	sand.u32 $0x1, s1;
	s3 =	sshll.u32 s3, $0x1  }
0x6: {  	[smem:$0x7FF] =	sst s2;
	s6 =	sadd.s32 $0x102400, s0;
	s5 =	sadd.s32 $0x22400, s0  }
0x7: {  	s7 =	sadd.s32 $0xA2400, s0;
	s9 =	sadd.s32 $0x2400, s0;
	s3 =	sor.u32 s1, s3  }
0x8: {  	_ =	strace $0x8000004A;
	s1 =	ssub.s32 $0x2, s1;
	s4 =	sshll.u32 s3, $0x8  }
0x9: {  	s8 =	sshll.u32 s3, $0xB;
	s24 =	sshll.u32 s3, $0xE;
	s3 =	sshll.u32 s3, $0xC  }
0xa: {  	s29 =	sshrl.u32 s1, $0x1;
	s4 =	sadd.s32 s4, s0;
	s8 =	sor.u32 $0x400, s8  }
0xb: {  	s3 =	sadd.s32 s7, s3;
	s31 =	ssub.s32 s1, s29;
	s4 =	sadd.s32 $0x182400, s4  }
0xc: {  	s25 =	sshll.u32 s8, $0x3;
	[dreg:$0x4] =	wrdreg s3;
	s0 =	smax.u32 s31, $0x1  }
0xd: {  	s28 =	sshll.u32 s8, $0x1;
	s3 =	simm.s32 $0x3;
	p1 =	sne.s32 s0, $0x1  }
.Ltmp0:
0xe: {  	[dreg:$0x2] =	wrdreg s4;
	s4 =	sadd.s32 s5, s24;
	(pc) =	sbr.rel @!p1 .LBB2_4-.Ltmp0, $4  }
0xf: {  	s8 =	simm.s32 $0x1;
	s26 =	sadd.s32 s5, s25;
	[dreg:$0x3] =	wrdreg s4  }
0x10: {  	s30 =	sadd.s32 s7, s28;
	s5 =	simm.s32 $0x800;
	[dreg:$0x5] =	wrdreg s26  }
0x11: {  	s17 =	sadd.s32 $0xFFFFFFFF, s0;
	s7 =	simm.s32 $0x2;
	[dreg:$0x6] =	wrdreg s30  }
0x12: {  	s4 =	simm.s32 $0x10800;
	s26 =	simm.s32 $0x380;
	s18 =	rddreg [dreg:$0x2]  }
0x13: {  	[tilespmem:s2], [sflag:$0x3] =	stream.linear.gather [hbm4b:s18+s2], $0x800, $0x38;
	[tilespmem:$0x14800] =	vst v63  }
0x14: {  	_ =	swait.ge [sflag:s3], $0x800  }
0x15: {  	[sflag:s3] =	ssyncset.done $0x0  }
0x16: {  	[sflag:s3] =	ssyncadd.s32 $0xFFFFF800  }
0x17: {  	[tilespmem:s5], [sflag:$0x1] =	stream.indirect.gather [hbm4b:s6+s10], $0x40, s2, s10, $0xb8;
	[tilespmem:$0x14800] =	vst v63  }
0x18: {  	_ = 	snop  }
0x19: {  	[tilespmem:s4], [sflag:$0x2] =	stream.indirect.gather [hbm4b:s9+s10], $0x10, s2, s10, $0xb8;
	[tilespmem:$0x14800] =	vst v63  }
0x1a: {  	s28 =	simm.s32 $0x2800  }
0x1b: {  	[tilespmem:s28], [sflag:$0x1] =	stream.indirect.gather [hbm4b:s6+s10], $0x40, s10, s10, $0xb8;
	[tilespmem:$0x14800] =	vst v63  }
0x1c: {  	s29 =	simm.s32 $0x11000  }
0x1d: {  	[tilespmem:s29], [sflag:$0x2] =	stream.indirect.gather [hbm4b:s9+s10], $0x10, s10, s10, $0xb8;
	[tilespmem:$0x14800] =	vst v63  }
0x1e: {  	s21 =	simm.s32 $0x4800;
	s0 =	simm.s32 $0x100  }
0x1f: {  	[tilespmem:s21], [sflag:$0x1] =	stream.indirect.gather [hbm4b:s6+s10], $0x40, s0, s10, $0xb8;
	[tilespmem:$0x14800] =	vst v63  }
0x20: {  	s30 =	simm.s32 $0x11800  }
0x21: {  	[tilespmem:s30], [sflag:$0x2] =	stream.indirect.gather [hbm4b:s9+s10], $0x10, s0, s10, $0xb8;
	[tilespmem:$0x14800] =	vst v63  }
0x22: {  	s22 =	simm.s32 $0x6800;
	s1 =	simm.s32 $0x180  }
0x23: {  	[tilespmem:s22], [sflag:$0x1] =	stream.indirect.gather [hbm4b:s6+s10], $0x40, s1, s10, $0xb8;
	[tilespmem:$0x14800] =	vst v63  }
0x24: {  	s31 =	simm.s32 $0x12000  }
0x25: {  	[tilespmem:s31], [sflag:$0x2] =	stream.indirect.gather [hbm4b:s9+s10], $0x10, s1, s10, $0xb8;
	[tilespmem:$0x14800] =	vst v63  }
0x26: {  	s23 =	simm.s32 $0x8800;
	s12 =	simm.s32 $0x200  }
0x27: {  	[tilespmem:s23], [sflag:$0x1] =	stream.indirect.gather [hbm4b:s6+s10], $0x40, s12, s10, $0xb8;
	[tilespmem:$0x14800] =	vst v63  }
0x28: {  	s0 =	simm.s32 $0x12800  }
0x29: {  	[tilespmem:s0], [sflag:$0x2] =	stream.indirect.gather [hbm4b:s9+s10], $0x10, s12, s10, $0xb8;
	[tilespmem:$0x14800] =	vst v63  }
0x2a: {  	s14 =	simm.s32 $0x280;
	s1 =	simm.s32 $0xA800  }
0x2b: {  	[tilespmem:s1], [sflag:$0x1] =	stream.indirect.gather [hbm4b:s6+s10], $0x40, s14, s10, $0xb8;
	[tilespmem:$0x14800] =	vst v63  }
0x2c: {  	s24 =	simm.s32 $0x13000  }
0x2d: {  	[tilespmem:s24], [sflag:$0x2] =	stream.indirect.gather [hbm4b:s9+s10], $0x10, s14, s10, $0xb8;
	[tilespmem:$0x14800] =	vst v63  }
0x2e: {  	s25 =	simm.s32 $0xC800;
	s16 =	simm.s32 $0x300  }
0x2f: {  	[tilespmem:s25], [sflag:$0x1] =	stream.indirect.gather [hbm4b:s6+s10], $0x40, s16, s10, $0xb8;
	[tilespmem:$0x14800] =	vst v63  }
0x30: {  	s12 =	simm.s32 $0x13800  }
0x31: {  	[tilespmem:s12], [sflag:$0x2] =	stream.indirect.gather [hbm4b:s9+s10], $0x10, s16, s10, $0xb8;
	[tilespmem:$0x14800] =	vst v63  }
0x32: {  	s14 =	simm.s32 $0xE800  }
0x33: {  	[tilespmem:s14], [sflag:$0x1] =	stream.indirect.gather [hbm4b:s6+s10], $0x40, s26, s10, $0xb8;
	[tilespmem:$0x14800] =	vst v63  }
0x34: {  	s16 =	simm.s32 $0x14000  }
0x35: {  	[tilespmem:s16], [sflag:$0x2] =	stream.indirect.gather [hbm4b:s9+s10], $0x10, s26, s10, $0xb8;
	[tilespmem:$0x14800] =	vst v63  }
0x36: {  	_ =	swait.ge [sflag:s8], $0x2000  }
0x37: {  	[sflag:s8] =	ssyncset.done $0x0  }
0x38: {  	[sflag:s8] =	ssyncadd.s32 $0xFFFFE000  }
0x39: {  	_ =	swait.ge [sflag:s7], $0x800  }
0x3a: {  	[sflag:s7] =	ssyncset.done $0x0  }
0x3b: {  	[sflag:s7] =	ssyncadd.s32 $0xFFFFF800  }
0x3c: {  	_ =	swait.ge [sflag:s8], $0x2000  }
0x3d: {  	[sflag:s8] =	ssyncset.done $0x0  }
0x3e: {  	[sflag:s8] =	ssyncadd.s32 $0xFFFFE000  }
0x3f: {  	_ =	swait.ge [sflag:s7], $0x800  }
0x40: {  	[sflag:s7] =	ssyncset.done $0x0  }
0x41: {  	[sflag:s7] =	ssyncadd.s32 $0xFFFFF800  }
0x42: {  	_ =	swait.ge [sflag:s8], $0x2000  }
0x43: {  	[sflag:s8] =	ssyncset.done $0x0  }
0x44: {  	[sflag:s8] =	ssyncadd.s32 $0xFFFFE000  }
0x45: {  	_ =	swait.ge [sflag:s7], $0x800  }
0x46: {  	[sflag:s7] =	ssyncset.done $0x0  }
0x47: {  	[sflag:s7] =	ssyncadd.s32 $0xFFFFF800  }
0x48: {  	_ =	swait.ge [sflag:s8], $0x2000  }
0x49: {  	[sflag:s8] =	ssyncset.done $0x0  }
0x4a: {  	[sflag:s8] =	ssyncadd.s32 $0xFFFFE000  }
0x4b: {  	_ =	swait.ge [sflag:s7], $0x800  }
0x4c: {  	[sflag:s7] =	ssyncset.done $0x0  }
0x4d: {  	[sflag:s7] =	ssyncadd.s32 $0xFFFFF800  }
0x4e: {  	_ =	swait.ge [sflag:s8], $0x2000  }
0x4f: {  	[sflag:s8] =	ssyncset.done $0x0  }
0x50: {  	[sflag:s8] =	ssyncadd.s32 $0xFFFFE000  }
0x51: {  	_ =	swait.ge [sflag:s7], $0x800  }
0x52: {  	[sflag:s7] =	ssyncset.done $0x0  }
0x53: {  	[sflag:s7] =	ssyncadd.s32 $0xFFFFF800  }
0x54: {  	_ =	swait.ge [sflag:s8], $0x2000  }
0x55: {  	[sflag:s8] =	ssyncset.done $0x0  }
0x56: {  	[sflag:s8] =	ssyncadd.s32 $0xFFFFE000  }
0x57: {  	_ =	swait.ge [sflag:s7], $0x800  }
0x58: {  	[sflag:s7] =	ssyncset.done $0x0  }
0x59: {  	[sflag:s7] =	ssyncadd.s32 $0xFFFFF800  }
0x5a: {  	_ =	swait.ge [sflag:s8], $0x2000  }
0x5b: {  	[sflag:s8] =	ssyncset.done $0x0  }
0x5c: {  	[sflag:s8] =	ssyncadd.s32 $0xFFFFE000  }
0x5d: {  	_ =	swait.ge [sflag:s7], $0x800  }
0x5e: {  	[sflag:s7] =	ssyncset.done $0x0  }
0x5f: {  	[sflag:s7] =	ssyncadd.s32 $0xFFFFF800  }
0x60: {  	_ =	swait.ge [sflag:s8], $0x2000  }
0x61: {  	[sflag:s8] =	ssyncset.done $0x0  }
0x62: {  	[sflag:s8] =	ssyncadd.s32 $0xFFFFE000  }
0x63: {  	_ =	swait.ge [sflag:s7], $0x800  }
0x64: {  	[sflag:s7] =	ssyncset.done $0x0  }
0x65: {  	s18 =	rddreg [dreg:$0x3];
	[sflag:s7] =	ssyncadd.s32 $0xFFFFF800  }
0x66: {  	[hbm4b:s18+s2] =	stream.linear.scatter [tilespmem:s5], [sflag:$0x3], $0x10000, $0x38;
	[tilespmem:$0x14800] =	vst v63  }
0x67: {  	_ =	swait.ge [sflag:s3], $0x10000  }
0x68: {  	[sflag:s3] =	ssyncset.done $0x0  }
0x69: {  	s18 =	rddreg [dreg:$0x4];
	[sflag:s3] =	ssyncadd.s32 $0xFFFF0000  }
0x6a: {  	[hbm4b:s18+s2] =	stream.linear.scatter [tilespmem:s4], [sflag:$0x3], $0x4000, $0x38;
	[tilespmem:$0x14800] =	vst v63  }
0x6b: {  	_ =	swait.ge [sflag:s3], $0x4000  }
0x6c: {  	[sflag:s3] =	ssyncset.done $0x0  }
0x6d: {  	[sflag:s3] =	ssyncadd.s32 $0xFFFFC000  }
0x6e: {  	[tilespmem:s5], [sflag:$0x1] =	stream.indirect.gather [hbm4b:s6+s10], $0x40, s20, s10, $0xb8;
	[tilespmem:$0x14800] =	vst v63  }
0x6f: {  	_ = 	snop  }
0x70: {  	[tilespmem:s4], [sflag:$0x2] =	stream.indirect.gather [hbm4b:s9+s10], $0x10, s20, s10, $0xb8;
	[tilespmem:$0x14800] =	vst v63  }
0x71: {  	_ = 	snop  }
0x72: {  	[tilespmem:s28], [sflag:$0x1] =	stream.indirect.gather [hbm4b:s6+s10], $0x40, s19, s10, $0xb8;
	[tilespmem:$0x14800] =	vst v63  }
0x73: {  	_ = 	snop  }
0x74: {  	[tilespmem:s29], [sflag:$0x2] =	stream.indirect.gather [hbm4b:s9+s10], $0x10, s19, s10, $0xb8;
	[tilespmem:$0x14800] =	vst v63  }
0x75: {  	s29 =	simm.s32 $0x500  }
0x76: {  	[tilespmem:s21], [sflag:$0x1] =	stream.indirect.gather [hbm4b:s6+s10], $0x40, s29, s10, $0xb8;
	[tilespmem:$0x14800] =	vst v63  }
0x77: {  	_ = 	snop  }
0x78: {  	[tilespmem:s30], [sflag:$0x2] =	stream.indirect.gather [hbm4b:s9+s10], $0x10, s29, s10, $0xb8;
	[tilespmem:$0x14800] =	vst v63  }
0x79: {  	_ = 	snop  }
0x7a: {  	[tilespmem:s22], [sflag:$0x1] =	stream.indirect.gather [hbm4b:s6+s10], $0x40, s15, s10, $0xb8;
	[tilespmem:$0x14800] =	vst v63  }
0x7b: {  	_ = 	snop  }
0x7c: {  	[tilespmem:s31], [sflag:$0x2] =	stream.indirect.gather [hbm4b:s9+s10], $0x10, s15, s10, $0xb8;
	[tilespmem:$0x14800] =	vst v63  }
0x7d: {  	s28 =	simm.s32 $0x600  }
0x7e: {  	[tilespmem:s23], [sflag:$0x1] =	stream.indirect.gather [hbm4b:s6+s10], $0x40, s28, s10, $0xb8;
	[tilespmem:$0x14800] =	vst v63  }
0x7f: {  	_ = 	snop  }
0x80: {  	[tilespmem:s0], [sflag:$0x2] =	stream.indirect.gather [hbm4b:s9+s10], $0x10, s28, s10, $0xb8;
	[tilespmem:$0x14800] =	vst v63  }
0x81: {  	_ = 	snop  }
0x82: {  	[tilespmem:s1], [sflag:$0x1] =	stream.indirect.gather [hbm4b:s6+s10], $0x40, s13, s10, $0xb8;
	[tilespmem:$0x14800] =	vst v63  }
0x83: {  	_ = 	snop  }
0x84: {  	[tilespmem:s24], [sflag:$0x2] =	stream.indirect.gather [hbm4b:s9+s10], $0x10, s13, s10, $0xb8;
	[tilespmem:$0x14800] =	vst v63  }
0x85: {  	s29 =	simm.s32 $0x700  }
0x86: {  	[tilespmem:s25], [sflag:$0x1] =	stream.indirect.gather [hbm4b:s6+s10], $0x40, s29, s10, $0xb8;
	[tilespmem:$0x14800] =	vst v63  }
0x87: {  	_ = 	snop  }
0x88: {  	[tilespmem:s12], [sflag:$0x2] =	stream.indirect.gather [hbm4b:s9+s10], $0x10, s29, s10, $0xb8;
	[tilespmem:$0x14800] =	vst v63  }
0x89: {  	_ = 	snop  }
0x8a: {  	[tilespmem:s14], [sflag:$0x1] =	stream.indirect.gather [hbm4b:s6+s10], $0x40, s11, s10, $0xb8;
	[tilespmem:$0x14800] =	vst v63  }
0x8b: {  	_ = 	snop  }
0x8c: {  	[tilespmem:s16], [sflag:$0x2] =	stream.indirect.gather [hbm4b:s9+s10], $0x10, s11, s10, $0xb8;
	[tilespmem:$0x14800] =	vst v63  }
0x8d: {  	_ =	swait.ge [sflag:s8], $0x2000  }
0x8e: {  	[sflag:s8] =	ssyncset.done $0x0  }
0x8f: {  	[sflag:s8] =	ssyncadd.s32 $0xFFFFE000  }
0x90: {  	_ =	swait.ge [sflag:s7], $0x800  }
0x91: {  	[sflag:s7] =	ssyncset.done $0x0  }
0x92: {  	[sflag:s7] =	ssyncadd.s32 $0xFFFFF800  }
0x93: {  	_ =	swait.ge [sflag:s8], $0x2000  }
0x94: {  	[sflag:s8] =	ssyncset.done $0x0  }
0x95: {  	[sflag:s8] =	ssyncadd.s32 $0xFFFFE000  }
0x96: {  	_ =	swait.ge [sflag:s7], $0x800  }
0x97: {  	[sflag:s7] =	ssyncset.done $0x0  }
0x98: {  	[sflag:s7] =	ssyncadd.s32 $0xFFFFF800  }
0x99: {  	_ =	swait.ge [sflag:s8], $0x2000  }
0x9a: {  	[sflag:s8] =	ssyncset.done $0x0  }
0x9b: {  	[sflag:s8] =	ssyncadd.s32 $0xFFFFE000  }
0x9c: {  	_ =	swait.ge [sflag:s7], $0x800  }
0x9d: {  	[sflag:s7] =	ssyncset.done $0x0  }
0x9e: {  	[sflag:s7] =	ssyncadd.s32 $0xFFFFF800  }
0x9f: {  	_ =	swait.ge [sflag:s8], $0x2000  }
0xa0: {  	[sflag:s8] =	ssyncset.done $0x0  }
0xa1: {  	[sflag:s8] =	ssyncadd.s32 $0xFFFFE000  }
0xa2: {  	_ =	swait.ge [sflag:s7], $0x800  }
0xa3: {  	[sflag:s7] =	ssyncset.done $0x0  }
0xa4: {  	[sflag:s7] =	ssyncadd.s32 $0xFFFFF800  }
0xa5: {  	_ =	swait.ge [sflag:s8], $0x2000  }
0xa6: {  	[sflag:s8] =	ssyncset.done $0x0  }
0xa7: {  	[sflag:s8] =	ssyncadd.s32 $0xFFFFE000  }
0xa8: {  	_ =	swait.ge [sflag:s7], $0x800  }
0xa9: {  	[sflag:s7] =	ssyncset.done $0x0  }
0xaa: {  	[sflag:s7] =	ssyncadd.s32 $0xFFFFF800  }
0xab: {  	_ =	swait.ge [sflag:s8], $0x2000  }
0xac: {  	[sflag:s8] =	ssyncset.done $0x0  }
0xad: {  	[sflag:s8] =	ssyncadd.s32 $0xFFFFE000  }
0xae: {  	_ =	swait.ge [sflag:s7], $0x800  }
0xaf: {  	[sflag:s7] =	ssyncset.done $0x0  }
0xb0: {  	[sflag:s7] =	ssyncadd.s32 $0xFFFFF800  }
0xb1: {  	_ =	swait.ge [sflag:s8], $0x2000  }
0xb2: {  	[sflag:s8] =	ssyncset.done $0x0  }
0xb3: {  	[sflag:s8] =	ssyncadd.s32 $0xFFFFE000  }
0xb4: {  	_ =	swait.ge [sflag:s7], $0x800  }
0xb5: {  	[sflag:s7] =	ssyncset.done $0x0  }
0xb6: {  	[sflag:s7] =	ssyncadd.s32 $0xFFFFF800  }
0xb7: {  	_ =	swait.ge [sflag:s8], $0x2000  }
0xb8: {  	[sflag:s8] =	ssyncset.done $0x0  }
0xb9: {  	[sflag:s8] =	ssyncadd.s32 $0xFFFFE000  }
0xba: {  	_ =	swait.ge [sflag:s7], $0x800  }
0xbb: {  	[sflag:s7] =	ssyncset.done $0x0  }
0xbc: {  	s30 =	rddreg [dreg:$0x5];
	[sflag:s7] =	ssyncadd.s32 $0xFFFFF800  }
0xbd: {  	[hbm4b:s30+s2] =	stream.linear.scatter [tilespmem:s5], [sflag:$0x3], $0x10000, $0x38;
	[tilespmem:$0x14800] =	vst v63  }
0xbe: {  	p1 =	sne.s32 s17, $0x1;
	_ =	swait.ge [sflag:s3], $0x10000  }
.Ltmp1:
0xbf: {  	[sflag:s3] =	ssyncset.done $0x0;
	(pc) =	sbr.rel @!p1 .LBB2_4-.Ltmp1, $4  }
0xc0: {  	s31 =	rddreg [dreg:$0x6];
	[sflag:s3] =	ssyncadd.s32 $0xFFFF0000  }
0xc1: {  	[hbm4b:s31+s2] =	stream.linear.scatter [tilespmem:s4], [sflag:$0x3], $0x4000, $0x38;
	[tilespmem:$0x14800] =	vst v63  }
0xc2: {  	s17 =	sadd.s32 $0xFFFFFFFF, s17;
	_ =	swait.ge [sflag:s3], $0x4000  }
0xc3: {  	p0 =	por $0x1, $0x1;
	s18 =	rddreg [dreg:$0x2];
	[sflag:s3] =	ssyncset.done $0x0  }
0xc4: {  	s28 =	simm.s32 $0x2800  }
0xc5: {  	s29 =	simm.s32 $0x11000;
	s21 =	simm.s32 $0x4800;
	s30 =	simm.s32 $0x11800  }
0xc6: {  	s22 =	simm.s32 $0x6800;
	s31 =	simm.s32 $0x12000;
	s23 =	simm.s32 $0x8800  }
0xc7: {  	s1 =	simm.s32 $0xA800;
	s24 =	simm.s32 $0x13000;
	s25 =	simm.s32 $0xC800  }
0xc8: {  	s12 =	simm.s32 $0x13800;
	s14 =	simm.s32 $0xE800;
	s16 =	simm.s32 $0x14000  }
.LBB2_3:
0xc9: {  	[sflag:s3] =	ssyncadd.s32 $0xFFFFC000  }
0xca: {  	[tilespmem:s2], [sflag:$0x3] =	stream.linear.gather [hbm4b:s18+s2], $0x800, $0x38;
	[tilespmem:$0x14800] =	vst v63  }
0xcb: {  	_ =	swait.ge [sflag:s3], $0x800  }
0xcc: {  	[sflag:s3] =	ssyncset.done $0x0  }
0xcd: {  	[sflag:s3] =	ssyncadd.s32 $0xFFFFF800  }
0xce: {  	[tilespmem:s5], [sflag:$0x1] =	stream.indirect.gather [hbm4b:s6+s10], $0x40, s2, s10, $0xb8;
	[tilespmem:$0x14800] =	vst v63  }
0xcf: {  	_ = 	snop  }
0xd0: {  	[tilespmem:s4], [sflag:$0x2] =	stream.indirect.gather [hbm4b:s9+s10], $0x10, s2, s10, $0xb8;
	[tilespmem:$0x14800] =	vst v63  }
0xd1: {  	_ = 	snop  }
0xd2: {  	[tilespmem:s28], [sflag:$0x1] =	stream.indirect.gather [hbm4b:s6+s10], $0x40, s10, s10, $0xb8;
	[tilespmem:$0x14800] =	vst v63  }
0xd3: {  	_ = 	snop  }
0xd4: {  	[tilespmem:s29], [sflag:$0x2] =	stream.indirect.gather [hbm4b:s9+s10], $0x10, s10, s10, $0xb8;
	[tilespmem:$0x14800] =	vst v63  }
0xd5: {  	s0 =	simm.s32 $0x100  }
0xd6: {  	[tilespmem:s21], [sflag:$0x1] =	stream.indirect.gather [hbm4b:s6+s10], $0x40, s0, s10, $0xb8;
	[tilespmem:$0x14800] =	vst v63  }
0xd7: {  	_ = 	snop  }
0xd8: {  	[tilespmem:s30], [sflag:$0x2] =	stream.indirect.gather [hbm4b:s9+s10], $0x10, s0, s10, $0xb8;
	[tilespmem:$0x14800] =	vst v63  }
0xd9: {  	s0 =	simm.s32 $0x180  }
0xda: {  	[tilespmem:s22], [sflag:$0x1] =	stream.indirect.gather [hbm4b:s6+s10], $0x40, s0, s10, $0xb8;
	[tilespmem:$0x14800] =	vst v63  }
0xdb: {  	_ = 	snop  }
0xdc: {  	[tilespmem:s31], [sflag:$0x2] =	stream.indirect.gather [hbm4b:s9+s10], $0x10, s0, s10, $0xb8;
	[tilespmem:$0x14800] =	vst v63  }
0xdd: {  	s18 =	simm.s32 $0x200  }
0xde: {  	[tilespmem:s23], [sflag:$0x1] =	stream.indirect.gather [hbm4b:s6+s10], $0x40, s18, s10, $0xb8;
	[tilespmem:$0x14800] =	vst v63  }
0xdf: {  	s0 =	simm.s32 $0x12800  }
0xe0: {  	[tilespmem:s0], [sflag:$0x2] =	stream.indirect.gather [hbm4b:s9+s10], $0x10, s18, s10, $0xb8;
	[tilespmem:$0x14800] =	vst v63  }
0xe1: {  	s18 =	simm.s32 $0x280  }
0xe2: {  	[tilespmem:s1], [sflag:$0x1] =	stream.indirect.gather [hbm4b:s6+s10], $0x40, s18, s10, $0xb8;
	[tilespmem:$0x14800] =	vst v63  }
0xe3: {  	_ = 	snop  }
0xe4: {  	[tilespmem:s24], [sflag:$0x2] =	stream.indirect.gather [hbm4b:s9+s10], $0x10, s18, s10, $0xb8;
	[tilespmem:$0x14800] =	vst v63  }
0xe5: {  	s18 =	simm.s32 $0x300  }
0xe6: {  	[tilespmem:s25], [sflag:$0x1] =	stream.indirect.gather [hbm4b:s6+s10], $0x40, s18, s10, $0xb8;
	[tilespmem:$0x14800] =	vst v63  }
0xe7: {  	_ = 	snop  }
0xe8: {  	[tilespmem:s12], [sflag:$0x2] =	stream.indirect.gather [hbm4b:s9+s10], $0x10, s18, s10, $0xb8;
	[tilespmem:$0x14800] =	vst v63  }
0xe9: {  	_ = 	snop  }
0xea: {  	[tilespmem:s14], [sflag:$0x1] =	stream.indirect.gather [hbm4b:s6+s10], $0x40, s26, s10, $0xb8;
	[tilespmem:$0x14800] =	vst v63  }
0xeb: {  	_ = 	snop  }
0xec: {  	[tilespmem:s16], [sflag:$0x2] =	stream.indirect.gather [hbm4b:s9+s10], $0x10, s26, s10, $0xb8;
	[tilespmem:$0x14800] =	vst v63  }
0xed: {  	_ =	swait.ge [sflag:s8], $0x2000  }
0xee: {  	[sflag:s8] =	ssyncset.done $0x0  }
0xef: {  	[sflag:s8] =	ssyncadd.s32 $0xFFFFE000  }
0xf0: {  	_ =	swait.ge [sflag:s7], $0x800  }
0xf1: {  	[sflag:s7] =	ssyncset.done $0x0  }
0xf2: {  	[sflag:s7] =	ssyncadd.s32 $0xFFFFF800  }
0xf3: {  	_ =	swait.ge [sflag:s8], $0x2000  }
0xf4: {  	[sflag:s8] =	ssyncset.done $0x0  }
0xf5: {  	[sflag:s8] =	ssyncadd.s32 $0xFFFFE000  }
0xf6: {  	_ =	swait.ge [sflag:s7], $0x800  }
0xf7: {  	[sflag:s7] =	ssyncset.done $0x0  }
0xf8: {  	[sflag:s7] =	ssyncadd.s32 $0xFFFFF800  }
0xf9: {  	_ =	swait.ge [sflag:s8], $0x2000  }
0xfa: {  	[sflag:s8] =	ssyncset.done $0x0  }
0xfb: {  	[sflag:s8] =	ssyncadd.s32 $0xFFFFE000  }
0xfc: {  	_ =	swait.ge [sflag:s7], $0x800  }
0xfd: {  	[sflag:s7] =	ssyncset.done $0x0  }
0xfe: {  	[sflag:s7] =	ssyncadd.s32 $0xFFFFF800  }
0xff: {  	_ =	swait.ge [sflag:s8], $0x2000  }
0x100: {  	[sflag:s8] =	ssyncset.done $0x0  }
0x101: {  	[sflag:s8] =	ssyncadd.s32 $0xFFFFE000  }
0x102: {  	_ =	swait.ge [sflag:s7], $0x800  }
0x103: {  	[sflag:s7] =	ssyncset.done $0x0  }
0x104: {  	[sflag:s7] =	ssyncadd.s32 $0xFFFFF800  }
0x105: {  	_ =	swait.ge [sflag:s8], $0x2000  }
0x106: {  	[sflag:s8] =	ssyncset.done $0x0  }
0x107: {  	[sflag:s8] =	ssyncadd.s32 $0xFFFFE000  }
0x108: {  	_ =	swait.ge [sflag:s7], $0x800  }
0x109: {  	[sflag:s7] =	ssyncset.done $0x0  }
0x10a: {  	[sflag:s7] =	ssyncadd.s32 $0xFFFFF800  }
0x10b: {  	_ =	swait.ge [sflag:s8], $0x2000  }
0x10c: {  	[sflag:s8] =	ssyncset.done $0x0  }
0x10d: {  	[sflag:s8] =	ssyncadd.s32 $0xFFFFE000  }
0x10e: {  	_ =	swait.ge [sflag:s7], $0x800  }
0x10f: {  	[sflag:s7] =	ssyncset.done $0x0  }
0x110: {  	[sflag:s7] =	ssyncadd.s32 $0xFFFFF800  }
0x111: {  	_ =	swait.ge [sflag:s8], $0x2000  }
0x112: {  	[sflag:s8] =	ssyncset.done $0x0  }
0x113: {  	[sflag:s8] =	ssyncadd.s32 $0xFFFFE000  }
0x114: {  	_ =	swait.ge [sflag:s7], $0x800  }
0x115: {  	[sflag:s7] =	ssyncset.done $0x0  }
0x116: {  	[sflag:s7] =	ssyncadd.s32 $0xFFFFF800  }
0x117: {  	_ =	swait.ge [sflag:s8], $0x2000  }
0x118: {  	[sflag:s8] =	ssyncset.done $0x0  }
0x119: {  	[sflag:s8] =	ssyncadd.s32 $0xFFFFE000  }
0x11a: {  	_ =	swait.ge [sflag:s7], $0x800  }
0x11b: {  	[sflag:s7] =	ssyncset.done $0x0  }
0x11c: {  	s18 =	rddreg [dreg:$0x3];
	[sflag:s7] =	ssyncadd.s32 $0xFFFFF800  }
0x11d: {  	[hbm4b:s18+s2] =	stream.linear.scatter [tilespmem:s5], [sflag:$0x3], $0x10000, $0x38;
	[tilespmem:$0x14800] =	vst v63  }
0x11e: {  	_ =	swait.ge [sflag:s3], $0x10000  }
0x11f: {  	[sflag:s3] =	ssyncset.done $0x0  }
0x120: {  	s18 =	rddreg [dreg:$0x4];
	[sflag:s3] =	ssyncadd.s32 $0xFFFF0000  }
0x121: {  	[hbm4b:s18+s2] =	stream.linear.scatter [tilespmem:s4], [sflag:$0x3], $0x4000, $0x38;
	[tilespmem:$0x14800] =	vst v63  }
0x122: {  	_ =	swait.ge [sflag:s3], $0x4000  }
0x123: {  	[sflag:s3] =	ssyncset.done $0x0  }
0x124: {  	[sflag:s3] =	ssyncadd.s32 $0xFFFFC000  }
0x125: {  	[tilespmem:s5], [sflag:$0x1] =	stream.indirect.gather [hbm4b:s6+s10], $0x40, s20, s10, $0xb8;
	[tilespmem:$0x14800] =	vst v63  }
0x126: {  	_ = 	snop  }
0x127: {  	[tilespmem:s4], [sflag:$0x2] =	stream.indirect.gather [hbm4b:s9+s10], $0x10, s20, s10, $0xb8;
	[tilespmem:$0x14800] =	vst v63  }
0x128: {  	_ = 	snop  }
0x129: {  	[tilespmem:s28], [sflag:$0x1] =	stream.indirect.gather [hbm4b:s6+s10], $0x40, s19, s10, $0xb8;
	[tilespmem:$0x14800] =	vst v63  }
0x12a: {  	_ = 	snop  }
0x12b: {  	[tilespmem:s29], [sflag:$0x2] =	stream.indirect.gather [hbm4b:s9+s10], $0x10, s19, s10, $0xb8;
	[tilespmem:$0x14800] =	vst v63  }
0x12c: {  	s18 =	simm.s32 $0x500  }
0x12d: {  	[tilespmem:s21], [sflag:$0x1] =	stream.indirect.gather [hbm4b:s6+s10], $0x40, s18, s10, $0xb8;
	[tilespmem:$0x14800] =	vst v63  }
0x12e: {  	_ = 	snop  }
0x12f: {  	[tilespmem:s30], [sflag:$0x2] =	stream.indirect.gather [hbm4b:s9+s10], $0x10, s18, s10, $0xb8;
	[tilespmem:$0x14800] =	vst v63  }
0x130: {  	_ = 	snop  }
0x131: {  	[tilespmem:s22], [sflag:$0x1] =	stream.indirect.gather [hbm4b:s6+s10], $0x40, s15, s10, $0xb8;
	[tilespmem:$0x14800] =	vst v63  }
0x132: {  	_ = 	snop  }
0x133: {  	[tilespmem:s31], [sflag:$0x2] =	stream.indirect.gather [hbm4b:s9+s10], $0x10, s15, s10, $0xb8;
	[tilespmem:$0x14800] =	vst v63  }
0x134: {  	s18 =	simm.s32 $0x600  }
0x135: {  	[tilespmem:s23], [sflag:$0x1] =	stream.indirect.gather [hbm4b:s6+s10], $0x40, s18, s10, $0xb8;
	[tilespmem:$0x14800] =	vst v63  }
0x136: {  	_ = 	snop  }
0x137: {  	[tilespmem:s0], [sflag:$0x2] =	stream.indirect.gather [hbm4b:s9+s10], $0x10, s18, s10, $0xb8;
	[tilespmem:$0x14800] =	vst v63  }
0x138: {  	_ = 	snop  }
0x139: {  	[tilespmem:s1], [sflag:$0x1] =	stream.indirect.gather [hbm4b:s6+s10], $0x40, s13, s10, $0xb8;
	[tilespmem:$0x14800] =	vst v63  }
0x13a: {  	_ = 	snop  }
0x13b: {  	[tilespmem:s24], [sflag:$0x2] =	stream.indirect.gather [hbm4b:s9+s10], $0x10, s13, s10, $0xb8;
	[tilespmem:$0x14800] =	vst v63  }
0x13c: {  	s18 =	simm.s32 $0x700  }
0x13d: {  	[tilespmem:s25], [sflag:$0x1] =	stream.indirect.gather [hbm4b:s6+s10], $0x40, s18, s10, $0xb8;
	[tilespmem:$0x14800] =	vst v63  }
0x13e: {  	_ = 	snop  }
0x13f: {  	[tilespmem:s12], [sflag:$0x2] =	stream.indirect.gather [hbm4b:s9+s10], $0x10, s18, s10, $0xb8;
	[tilespmem:$0x14800] =	vst v63  }
0x140: {  	_ = 	snop  }
0x141: {  	[tilespmem:s14], [sflag:$0x1] =	stream.indirect.gather [hbm4b:s6+s10], $0x40, s11, s10, $0xb8;
	[tilespmem:$0x14800] =	vst v63  }
0x142: {  	_ = 	snop  }
0x143: {  	[tilespmem:s16], [sflag:$0x2] =	stream.indirect.gather [hbm4b:s9+s10], $0x10, s11, s10, $0xb8;
	[tilespmem:$0x14800] =	vst v63  }
0x144: {  	_ =	swait.ge [sflag:s8], $0x2000  }
0x145: {  	[sflag:s8] =	ssyncset.done $0x0  }
0x146: {  	[sflag:s8] =	ssyncadd.s32 $0xFFFFE000  }
0x147: {  	_ =	swait.ge [sflag:s7], $0x800  }
0x148: {  	[sflag:s7] =	ssyncset.done $0x0  }
0x149: {  	[sflag:s7] =	ssyncadd.s32 $0xFFFFF800  }
0x14a: {  	_ =	swait.ge [sflag:s8], $0x2000  }
0x14b: {  	[sflag:s8] =	ssyncset.done $0x0  }
0x14c: {  	[sflag:s8] =	ssyncadd.s32 $0xFFFFE000  }
0x14d: {  	_ =	swait.ge [sflag:s7], $0x800  }
0x14e: {  	[sflag:s7] =	ssyncset.done $0x0  }
0x14f: {  	[sflag:s7] =	ssyncadd.s32 $0xFFFFF800  }
0x150: {  	_ =	swait.ge [sflag:s8], $0x2000  }
0x151: {  	[sflag:s8] =	ssyncset.done $0x0  }
0x152: {  	[sflag:s8] =	ssyncadd.s32 $0xFFFFE000  }
0x153: {  	_ =	swait.ge [sflag:s7], $0x800  }
0x154: {  	[sflag:s7] =	ssyncset.done $0x0  }
0x155: {  	[sflag:s7] =	ssyncadd.s32 $0xFFFFF800  }
0x156: {  	_ =	swait.ge [sflag:s8], $0x2000  }
0x157: {  	[sflag:s8] =	ssyncset.done $0x0  }
0x158: {  	[sflag:s8] =	ssyncadd.s32 $0xFFFFE000  }
0x159: {  	_ =	swait.ge [sflag:s7], $0x800  }
0x15a: {  	[sflag:s7] =	ssyncset.done $0x0  }
0x15b: {  	[sflag:s7] =	ssyncadd.s32 $0xFFFFF800  }
0x15c: {  	_ =	swait.ge [sflag:s8], $0x2000  }
0x15d: {  	[sflag:s8] =	ssyncset.done $0x0  }
0x15e: {  	[sflag:s8] =	ssyncadd.s32 $0xFFFFE000  }
0x15f: {  	_ =	swait.ge [sflag:s7], $0x800  }
0x160: {  	[sflag:s7] =	ssyncset.done $0x0  }
0x161: {  	[sflag:s7] =	ssyncadd.s32 $0xFFFFF800  }
0x162: {  	_ =	swait.ge [sflag:s8], $0x2000  }
0x163: {  	[sflag:s8] =	ssyncset.done $0x0  }
0x164: {  	[sflag:s8] =	ssyncadd.s32 $0xFFFFE000  }
0x165: {  	_ =	swait.ge [sflag:s7], $0x800  }
0x166: {  	[sflag:s7] =	ssyncset.done $0x0  }
0x167: {  	[sflag:s7] =	ssyncadd.s32 $0xFFFFF800  }
0x168: {  	_ =	swait.ge [sflag:s8], $0x2000  }
0x169: {  	[sflag:s8] =	ssyncset.done $0x0  }
0x16a: {  	[sflag:s8] =	ssyncadd.s32 $0xFFFFE000  }
0x16b: {  	_ =	swait.ge [sflag:s7], $0x800  }
0x16c: {  	[sflag:s7] =	ssyncset.done $0x0  }
0x16d: {  	[sflag:s7] =	ssyncadd.s32 $0xFFFFF800  }
0x16e: {  	_ =	swait.ge [sflag:s8], $0x2000  }
0x16f: {  	[sflag:s8] =	ssyncset.done $0x0  }
0x170: {  	[sflag:s8] =	ssyncadd.s32 $0xFFFFE000  }
0x171: {  	_ =	swait.ge [sflag:s7], $0x800  }
0x172: {  	[sflag:s7] =	ssyncset.done $0x0  }
0x173: {  	s0 =	rddreg [dreg:$0x5];
	[sflag:s7] =	ssyncadd.s32 $0xFFFFF800  }
0x174: {  	[hbm4b:s0+s2] =	stream.linear.scatter [tilespmem:s5], [sflag:$0x3], $0x10000, $0x38;
	[tilespmem:$0x14800] =	vst v63  }
0x175: {  	p1 =	sne.s32 s17, $0x1;
	_ =	swait.ge [sflag:s3], $0x10000  }
.Ltmp2:
0x176: {  	[sflag:s3] =	ssyncset.done $0x0;
	(pc) =	sbr.rel @p1 .LBB2_3-.Ltmp2, $4  }
0x177: {  	s0 =	rddreg [dreg:$0x6];
	[sflag:s3] =	ssyncadd.s32 $0xFFFF0000  }
0x178: {  	[hbm4b:s0+s2] =	stream.linear.scatter [tilespmem:s4], [sflag:$0x3], $0x4000, $0x38;
	[tilespmem:$0x14800] =	vst v63  }
0x179: {  	_ =	swait.ge [sflag:s3], $0x4000  }
0x17a: {  	s17 =	sadd.s32 $0xFFFFFFFF, s17;
	s18 =	rddreg [dreg:$0x2];
	[sflag:s3] =	ssyncset.done $0x0  }
.LBB2_4:
0x17b: {  	[sflag:s3] =	ssyncadd.s32 @p0 $0xFFFFC000  }
0x17c: {  	[tilespmem:s2], [sflag:$0x3] =	stream.linear.gather [hbm4b:s18+s2], $0x800, $0x38;
	[tilespmem:$0x14800] =	vst v63  }
0x17d: {  	_ =	swait.ge [sflag:s3], $0x800  }
0x17e: {  	[sflag:s3] =	ssyncset.done $0x0  }
0x17f: {  	[sflag:s3] =	ssyncadd.s32 $0xFFFFF800  }
0x180: {  	[tilespmem:s5], [sflag:$0x1] =	stream.indirect.gather [hbm4b:s6+s10], $0x40, s2, s10, $0xb8;
	[tilespmem:$0x14800] =	vst v63  }
0x181: {  	_ = 	snop  }
0x182: {  	[tilespmem:s4], [sflag:$0x2] =	stream.indirect.gather [hbm4b:s9+s10], $0x10, s2, s10, $0xb8;
	[tilespmem:$0x14800] =	vst v63  }
0x183: {  	s17 =	simm.s32 $0x2800  }
0x184: {  	[tilespmem:s17], [sflag:$0x1] =	stream.indirect.gather [hbm4b:s6+s10], $0x40, s10, s10, $0xb8;
	[tilespmem:$0x14800] =	vst v63  }
0x185: {  	s18 =	simm.s32 $0x11000  }
0x186: {  	[tilespmem:s18], [sflag:$0x2] =	stream.indirect.gather [hbm4b:s9+s10], $0x10, s10, s10, $0xb8;
	[tilespmem:$0x14800] =	vst v63  }
0x187: {  	s19 =	simm.s32 $0x4800;
	s0 =	simm.s32 $0x100  }
0x188: {  	[tilespmem:s19], [sflag:$0x1] =	stream.indirect.gather [hbm4b:s6+s10], $0x40, s0, s10, $0xb8;
	[tilespmem:$0x14800] =	vst v63  }
0x189: {  	s20 =	simm.s32 $0x11800  }
0x18a: {  	[tilespmem:s20], [sflag:$0x2] =	stream.indirect.gather [hbm4b:s9+s10], $0x10, s0, s10, $0xb8;
	[tilespmem:$0x14800] =	vst v63  }
0x18b: {  	s21 =	simm.s32 $0x6800;
	s24 =	simm.s32 $0x180  }
0x18c: {  	[tilespmem:s21], [sflag:$0x1] =	stream.indirect.gather [hbm4b:s6+s10], $0x40, s24, s10, $0xb8;
	[tilespmem:$0x14800] =	vst v63  }
0x18d: {  	s22 =	simm.s32 $0x12000  }
0x18e: {  	[tilespmem:s22], [sflag:$0x2] =	stream.indirect.gather [hbm4b:s9+s10], $0x10, s24, s10, $0xb8;
	[tilespmem:$0x14800] =	vst v63  }
0x18f: {  	s12 =	simm.s32 $0x8800;
	s25 =	simm.s32 $0x200  }
0x190: {  	[tilespmem:s12], [sflag:$0x1] =	stream.indirect.gather [hbm4b:s6+s10], $0x40, s25, s10, $0xb8;
	[tilespmem:$0x14800] =	vst v63  }
0x191: {  	s23 =	simm.s32 $0x12800  }
0x192: {  	[tilespmem:s23], [sflag:$0x2] =	stream.indirect.gather [hbm4b:s9+s10], $0x10, s25, s10, $0xb8;
	[tilespmem:$0x14800] =	vst v63  }
0x193: {  	s13 =	simm.s32 $0xA800;
	s26 =	simm.s32 $0x280  }
0x194: {  	[tilespmem:s13], [sflag:$0x1] =	stream.indirect.gather [hbm4b:s6+s10], $0x40, s26, s10, $0xb8;
	[tilespmem:$0x14800] =	vst v63  }
0x195: {  	s24 =	simm.s32 $0x13000  }
0x196: {  	[tilespmem:s24], [sflag:$0x2] =	stream.indirect.gather [hbm4b:s9+s10], $0x10, s26, s10, $0xb8;
	[tilespmem:$0x14800] =	vst v63  }
0x197: {  	s14 =	simm.s32 $0xC800;
	s28 =	simm.s32 $0x300  }
0x198: {  	[tilespmem:s14], [sflag:$0x1] =	stream.indirect.gather [hbm4b:s6+s10], $0x40, s28, s10, $0xb8;
	[tilespmem:$0x14800] =	vst v63  }
0x199: {  	s25 =	simm.s32 $0x13800  }
0x19a: {  	[tilespmem:s25], [sflag:$0x2] =	stream.indirect.gather [hbm4b:s9+s10], $0x10, s28, s10, $0xb8;
	[tilespmem:$0x14800] =	vst v63  }
0x19b: {  	s29 =	simm.s32 $0xE800;
	s11 =	simm.s32 $0x380  }
0x19c: {  	[tilespmem:s29], [sflag:$0x1] =	stream.indirect.gather [hbm4b:s6+s10], $0x40, s11, s10, $0xb8;
	[tilespmem:$0x14800] =	vst v63  }
0x19d: {  	s1 =	simm.s32 $0x14000  }
0x19e: {  	[tilespmem:s1], [sflag:$0x2] =	stream.indirect.gather [hbm4b:s9+s10], $0x10, s11, s10, $0xb8;
	[tilespmem:$0x14800] =	vst v63  }
0x19f: {  	_ =	swait.ge [sflag:s8], $0x2000  }
0x1a0: {  	[sflag:s8] =	ssyncset.done $0x0  }
0x1a1: {  	[sflag:s8] =	ssyncadd.s32 $0xFFFFE000  }
0x1a2: {  	_ =	swait.ge [sflag:s7], $0x800  }
0x1a3: {  	[sflag:s7] =	ssyncset.done $0x0  }
0x1a4: {  	[sflag:s7] =	ssyncadd.s32 $0xFFFFF800  }
0x1a5: {  	_ =	swait.ge [sflag:s8], $0x2000  }
0x1a6: {  	[sflag:s8] =	ssyncset.done $0x0  }
0x1a7: {  	[sflag:s8] =	ssyncadd.s32 $0xFFFFE000  }
0x1a8: {  	_ =	swait.ge [sflag:s7], $0x800  }
0x1a9: {  	[sflag:s7] =	ssyncset.done $0x0  }
0x1aa: {  	[sflag:s7] =	ssyncadd.s32 $0xFFFFF800  }
0x1ab: {  	_ =	swait.ge [sflag:s8], $0x2000  }
0x1ac: {  	[sflag:s8] =	ssyncset.done $0x0  }
0x1ad: {  	[sflag:s8] =	ssyncadd.s32 $0xFFFFE000  }
0x1ae: {  	_ =	swait.ge [sflag:s7], $0x800  }
0x1af: {  	[sflag:s7] =	ssyncset.done $0x0  }
0x1b0: {  	[sflag:s7] =	ssyncadd.s32 $0xFFFFF800  }
0x1b1: {  	_ =	swait.ge [sflag:s8], $0x2000  }
0x1b2: {  	[sflag:s8] =	ssyncset.done $0x0  }
0x1b3: {  	[sflag:s8] =	ssyncadd.s32 $0xFFFFE000  }
0x1b4: {  	_ =	swait.ge [sflag:s7], $0x800  }
0x1b5: {  	[sflag:s7] =	ssyncset.done $0x0  }
0x1b6: {  	[sflag:s7] =	ssyncadd.s32 $0xFFFFF800  }
0x1b7: {  	_ =	swait.ge [sflag:s8], $0x2000  }
0x1b8: {  	[sflag:s8] =	ssyncset.done $0x0  }
0x1b9: {  	[sflag:s8] =	ssyncadd.s32 $0xFFFFE000  }
0x1ba: {  	_ =	swait.ge [sflag:s7], $0x800  }
0x1bb: {  	[sflag:s7] =	ssyncset.done $0x0  }
0x1bc: {  	[sflag:s7] =	ssyncadd.s32 $0xFFFFF800  }
0x1bd: {  	_ =	swait.ge [sflag:s8], $0x2000  }
0x1be: {  	[sflag:s8] =	ssyncset.done $0x0  }
0x1bf: {  	[sflag:s8] =	ssyncadd.s32 $0xFFFFE000  }
0x1c0: {  	_ =	swait.ge [sflag:s7], $0x800  }
0x1c1: {  	[sflag:s7] =	ssyncset.done $0x0  }
0x1c2: {  	[sflag:s7] =	ssyncadd.s32 $0xFFFFF800  }
0x1c3: {  	_ =	swait.ge [sflag:s8], $0x2000  }
0x1c4: {  	[sflag:s8] =	ssyncset.done $0x0  }
0x1c5: {  	[sflag:s8] =	ssyncadd.s32 $0xFFFFE000  }
0x1c6: {  	_ =	swait.ge [sflag:s7], $0x800  }
0x1c7: {  	[sflag:s7] =	ssyncset.done $0x0  }
0x1c8: {  	[sflag:s7] =	ssyncadd.s32 $0xFFFFF800  }
0x1c9: {  	_ =	swait.ge [sflag:s8], $0x2000  }
0x1ca: {  	[sflag:s8] =	ssyncset.done $0x0  }
0x1cb: {  	[sflag:s8] =	ssyncadd.s32 $0xFFFFE000  }
0x1cc: {  	_ =	swait.ge [sflag:s7], $0x800  }
0x1cd: {  	[sflag:s7] =	ssyncset.done $0x0  }
0x1ce: {  	s30 =	rddreg [dreg:$0x3];
	[sflag:s7] =	ssyncadd.s32 $0xFFFFF800  }
0x1cf: {  	[hbm4b:s30+s2] =	stream.linear.scatter [tilespmem:s5], [sflag:$0x3], $0x10000, $0x38;
	[tilespmem:$0x14800] =	vst v63  }
0x1d0: {  	_ =	swait.ge [sflag:s3], $0x10000  }
0x1d1: {  	[sflag:s3] =	ssyncset.done $0x0  }
0x1d2: {  	s31 =	rddreg [dreg:$0x4];
	[sflag:s3] =	ssyncadd.s32 $0xFFFF0000  }
0x1d3: {  	[hbm4b:s31+s2] =	stream.linear.scatter [tilespmem:s4], [sflag:$0x3], $0x4000, $0x38;
	[tilespmem:$0x14800] =	vst v63  }
0x1d4: {  	_ =	swait.ge [sflag:s3], $0x4000  }
0x1d5: {  	[sflag:s3] =	ssyncset.done $0x0  }
0x1d6: {  	s15 =	simm.s32 $0x400;
	[sflag:s3] =	ssyncadd.s32 $0xFFFFC000  }
0x1d7: {  	[tilespmem:s5], [sflag:$0x1] =	stream.indirect.gather [hbm4b:s6+s10], $0x40, s15, s10, $0xb8;
	[tilespmem:$0x14800] =	vst v63  }
0x1d8: {  	_ = 	snop  }
0x1d9: {  	[tilespmem:s4], [sflag:$0x2] =	stream.indirect.gather [hbm4b:s9+s10], $0x10, s15, s10, $0xb8;
	[tilespmem:$0x14800] =	vst v63  }
0x1da: {  	s16 =	simm.s32 $0x480  }
0x1db: {  	[tilespmem:s17], [sflag:$0x1] =	stream.indirect.gather [hbm4b:s6+s10], $0x40, s16, s10, $0xb8;
	[tilespmem:$0x14800] =	vst v63  }
0x1dc: {  	_ = 	snop  }
0x1dd: {  	[tilespmem:s18], [sflag:$0x2] =	stream.indirect.gather [hbm4b:s9+s10], $0x10, s16, s10, $0xb8;
	[tilespmem:$0x14800] =	vst v63  }
0x1de: {  	s18 =	simm.s32 $0x500  }
0x1df: {  	[tilespmem:s19], [sflag:$0x1] =	stream.indirect.gather [hbm4b:s6+s10], $0x40, s18, s10, $0xb8;
	[tilespmem:$0x14800] =	vst v63  }
0x1e0: {  	_ = 	snop  }
0x1e1: {  	[tilespmem:s20], [sflag:$0x2] =	stream.indirect.gather [hbm4b:s9+s10], $0x10, s18, s10, $0xb8;
	[tilespmem:$0x14800] =	vst v63  }
0x1e2: {  	s20 =	simm.s32 $0x580  }
0x1e3: {  	[tilespmem:s21], [sflag:$0x1] =	stream.indirect.gather [hbm4b:s6+s10], $0x40, s20, s10, $0xb8;
	[tilespmem:$0x14800] =	vst v63  }
0x1e4: {  	_ = 	snop  }
0x1e5: {  	[tilespmem:s22], [sflag:$0x2] =	stream.indirect.gather [hbm4b:s9+s10], $0x10, s20, s10, $0xb8;
	[tilespmem:$0x14800] =	vst v63  }
0x1e6: {  	s22 =	simm.s32 $0x600  }
0x1e7: {  	[tilespmem:s12], [sflag:$0x1] =	stream.indirect.gather [hbm4b:s6+s10], $0x40, s22, s10, $0xb8;
	[tilespmem:$0x14800] =	vst v63  }
0x1e8: {  	_ = 	snop  }
0x1e9: {  	[tilespmem:s23], [sflag:$0x2] =	stream.indirect.gather [hbm4b:s9+s10], $0x10, s22, s10, $0xb8;
	[tilespmem:$0x14800] =	vst v63  }
0x1ea: {  	s23 =	simm.s32 $0x680  }
0x1eb: {  	[tilespmem:s13], [sflag:$0x1] =	stream.indirect.gather [hbm4b:s6+s10], $0x40, s23, s10, $0xb8;
	[tilespmem:$0x14800] =	vst v63  }
0x1ec: {  	_ = 	snop  }
0x1ed: {  	[tilespmem:s24], [sflag:$0x2] =	stream.indirect.gather [hbm4b:s9+s10], $0x10, s23, s10, $0xb8;
	[tilespmem:$0x14800] =	vst v63  }
0x1ee: {  	s26 =	simm.s32 $0x700  }
0x1ef: {  	[tilespmem:s14], [sflag:$0x1] =	stream.indirect.gather [hbm4b:s6+s10], $0x40, s26, s10, $0xb8;
	[tilespmem:$0x14800] =	vst v63  }
0x1f0: {  	_ = 	snop  }
0x1f1: {  	[tilespmem:s25], [sflag:$0x2] =	stream.indirect.gather [hbm4b:s9+s10], $0x10, s26, s10, $0xb8;
	[tilespmem:$0x14800] =	vst v63  }
0x1f2: {  	s28 =	simm.s32 $0x780  }
0x1f3: {  	[tilespmem:s29], [sflag:$0x1] =	stream.indirect.gather [hbm4b:s6+s10], $0x40, s28, s10, $0xb8;
	[tilespmem:$0x14800] =	vst v63  }
0x1f4: {  	_ = 	snop  }
0x1f5: {  	[tilespmem:s1], [sflag:$0x2] =	stream.indirect.gather [hbm4b:s9+s10], $0x10, s28, s10, $0xb8;
	[tilespmem:$0x14800] =	vst v63  }
0x1f6: {  	_ =	swait.ge [sflag:s8], $0x2000  }
0x1f7: {  	[sflag:s8] =	ssyncset.done $0x0  }
0x1f8: {  	[sflag:s8] =	ssyncadd.s32 $0xFFFFE000  }
0x1f9: {  	_ =	swait.ge [sflag:s7], $0x800  }
0x1fa: {  	[sflag:s7] =	ssyncset.done $0x0  }
0x1fb: {  	[sflag:s7] =	ssyncadd.s32 $0xFFFFF800  }
0x1fc: {  	_ =	swait.ge [sflag:s8], $0x2000  }
0x1fd: {  	[sflag:s8] =	ssyncset.done $0x0  }
0x1fe: {  	[sflag:s8] =	ssyncadd.s32 $0xFFFFE000  }
0x1ff: {  	_ =	swait.ge [sflag:s7], $0x800  }
0x200: {  	[sflag:s7] =	ssyncset.done $0x0  }
0x201: {  	[sflag:s7] =	ssyncadd.s32 $0xFFFFF800  }
0x202: {  	_ =	swait.ge [sflag:s8], $0x2000  }
0x203: {  	[sflag:s8] =	ssyncset.done $0x0  }
0x204: {  	[sflag:s8] =	ssyncadd.s32 $0xFFFFE000  }
0x205: {  	_ =	swait.ge [sflag:s7], $0x800  }
0x206: {  	[sflag:s7] =	ssyncset.done $0x0  }
0x207: {  	[sflag:s7] =	ssyncadd.s32 $0xFFFFF800  }
0x208: {  	_ =	swait.ge [sflag:s8], $0x2000  }
0x209: {  	[sflag:s8] =	ssyncset.done $0x0  }
0x20a: {  	[sflag:s8] =	ssyncadd.s32 $0xFFFFE000  }
0x20b: {  	_ =	swait.ge [sflag:s7], $0x800  }
0x20c: {  	[sflag:s7] =	ssyncset.done $0x0  }
0x20d: {  	[sflag:s7] =	ssyncadd.s32 $0xFFFFF800  }
0x20e: {  	_ =	swait.ge [sflag:s8], $0x2000  }
0x20f: {  	[sflag:s8] =	ssyncset.done $0x0  }
0x210: {  	[sflag:s8] =	ssyncadd.s32 $0xFFFFE000  }
0x211: {  	_ =	swait.ge [sflag:s7], $0x800  }
0x212: {  	[sflag:s7] =	ssyncset.done $0x0  }
0x213: {  	[sflag:s7] =	ssyncadd.s32 $0xFFFFF800  }
0x214: {  	_ =	swait.ge [sflag:s8], $0x2000  }
0x215: {  	[sflag:s8] =	ssyncset.done $0x0  }
0x216: {  	[sflag:s8] =	ssyncadd.s32 $0xFFFFE000  }
0x217: {  	_ =	swait.ge [sflag:s7], $0x800  }
0x218: {  	[sflag:s7] =	ssyncset.done $0x0  }
0x219: {  	[sflag:s7] =	ssyncadd.s32 $0xFFFFF800  }
0x21a: {  	_ =	swait.ge [sflag:s8], $0x2000  }
0x21b: {  	[sflag:s8] =	ssyncset.done $0x0  }
0x21c: {  	[sflag:s8] =	ssyncadd.s32 $0xFFFFE000  }
0x21d: {  	_ =	swait.ge [sflag:s7], $0x800  }
0x21e: {  	[sflag:s7] =	ssyncset.done $0x0  }
0x21f: {  	[sflag:s7] =	ssyncadd.s32 $0xFFFFF800  }
0x220: {  	_ =	swait.ge [sflag:s8], $0x2000  }
0x221: {  	[sflag:s8] =	ssyncset.done $0x0  }
0x222: {  	[sflag:s8] =	ssyncadd.s32 $0xFFFFE000  }
0x223: {  	_ =	swait.ge [sflag:s7], $0x800  }
0x224: {  	[sflag:s7] =	ssyncset.done $0x0  }
0x225: {  	s29 =	rddreg [dreg:$0x5];
	[sflag:s7] =	ssyncadd.s32 $0xFFFFF800  }
0x226: {  	[hbm4b:s29+s2] =	stream.linear.scatter [tilespmem:s5], [sflag:$0x3], $0x10000, $0x38;
	[tilespmem:$0x14800] =	vst v63  }
0x227: {  	_ =	swait.ge [sflag:s3], $0x10000  }
0x228: {  	[sflag:s3] =	ssyncset.done $0x0  }
0x229: {  	s30 =	rddreg [dreg:$0x6];
	[sflag:s3] =	ssyncadd.s32 $0xFFFF0000  }
0x22a: {  	[hbm4b:s30+s2] =	stream.linear.scatter [tilespmem:s4], [sflag:$0x3], $0x4000, $0x38;
	[tilespmem:$0x14800] =	vst v63  }
0x22b: {  	_ =	swait.ge [sflag:s3], $0x4000  }
0x22c: {  	[sflag:s3] =	ssyncset.done $0x0  }
0x22d: {  	[sflag:s3] =	ssyncadd.s32 $0xFFFFC000  }
0x22e: {  	_ =	sfence.sel $0x180000  }
0x22f: {  	[bflag:$0x0] =	sbarrier.arrive $0xFFFF  }
0x230: {  	_ =	strace $0x9000004A  }
0x231: {  	s31 =	stileid.u32;
	[bflag:$0x2] =	sbarrier.arrive $0xFFFF  }
0x232: {  	p0 =	sne.s32 s31, $0x0;
	s0 =	rddreg [dreg:$0x1]  }
0x233: {  	s0 =	sadd.s32 @!p0 $0x100000, s0  }
0x234: {  	[sflag:s0] =	ssyncadd.tile.s32 @!p0 $0x1;
	_ =	shalt  }
.Lfunc_end2:
_tile_overlayer_lowered:
.L_overlay_start_2:
0x235: {  	(tag) =	ssettag $0x2  }
0x236: {  	s0 =	rddreg [dreg:$0x0];
	s2 =	stileid.u32  }
0x237: {  	s1 =	rddreg [dreg:$0x1];
	p0 =	sne.s32 s2, $0x0  }
0x238: {  	s3 =	rddreg [dreg:$0x2];
	[bflag:$0x3] =	sbarrier.arrive $0xFFFF;
	s2 =	simm.s32 @!p0 $0x1C03  }
0x239: {  	[timem:s3], [sflag:s2] =	dma.local @!p0 [hbm:s0], s1  }
0x23a: {  	s0 =	simm.s32 @!p0 $0x3  }
0x23b: {  	_ =	swait.ge @!p0 [sflag:s0], s1  }
0x23c: {  	s1 =	ssub.s32 @!p0 $0x0, s1;
	[sflag:s0] =	ssyncset.done @!p0 $0x0  }
0x23d: {  	[sflag:s0] =	ssyncadd.s32 @!p0 s1  }
0x23e: {  	[bflag:$0x3] =	sbarrier.arrive $0xFFFF  }
0x23f: {  	_ =	shalt  }

// kernel: kernel.9.cloned.1.call-start
scs
__scs_entry_jumppad:
0x0: {  	(pc) =	sbr.rel $0x88, $3  }
0x1: {  	(tag) =	ssettag $0x0;
	lr =	simm.s32 $0x1  }
0x2: {  	[smem:$0x3F93] =	sst lr;
	_ =	strace $0xD0000000  }
0x3: {  	_ = 	snop  }
0x4: {  	_ = 	snop  }
0x5: {  	_ = 	snop  }
0x6: {  	_ = 	snop  }
0x7: {  	_ = 	snop  }
__scs_overlays_trampoline_lowered:
0x8: {  	[smem:$0x3FA2] =	sst s0  }
0x9: {  	[smem:$0x3FA3] =	sst s1  }
0xa: {  	[smem:$0x3FA4] =	sst s2  }
0xb: {  	[smem:$0x3FA5] =	sst s3  }
0xc: {  	[smem:$0x3FA6] =	sst s4  }
0xd: {  	[smem:$0x3FA7] =	sst s5  }
0xe: {  	[smem:$0x3FA8] =	sst s6  }
0xf: {  	[smem:$0x3FA9] =	sst s7  }
0x10: {  	[smem:$0x3FAA] =	sst s8  }
0x11: {  	[smem:$0x3FAB] =	sst s9;
	s0 =	simm.s32 @!p0 $0x0  }
0x12: {  	s1 =	sld [smem:$0x3F91];
	s0 =	simm.s32 @p0 $0x1  }
0x13: {  	[smem:$0x3FAC] =	sst s0;
	s0 =	simm.s32 @!p1 $0x0  }
0x14: {  	s2 =	sld [smem:$0x3F90];
	s0 =	simm.s32 @p1 $0x1  }
0x15: {  	[smem:$0x3FAD] =	sst s0;
	s0 =	simm.s32 @!p2 $0x0  }
0x16: {  	s3 =	sld [smem:$0x3FDB];
	s0 =	simm.s32 @p2 $0x1  }
0x17: {  	s4 =	simm.s32 $0x1BF5;
	[smem:$0x3FAF] =	sst s0  }
0x18: {  	s0 =	sld [smem:$0x3F92];
	_ =	swait.ge [sflag:s4], $0x0  }
0x19: {  	s7 =	sld [smem:$0x3F93]  }
0x1a: {  	s8 =	sadd.s32 $0xFFFFE003, lr  }
0x1b: {  	s9 =	sadd.s32 $0xFFFFFEF7, lr;
	s5 =	simm.s32 $0xFFFFFFFF;
	p2 =	slt.u32 s8, $0xFFFFF086  }
0x1c: {  	p1 =	slt.u32 s9, $0xF7A;
	s5 =	simm.s32 @!p2 $0x0  }
0x1d: {  	s5 =	simm.s32 @p1 $0x1;
	p0 =	seq.s32 s7, s2  }
0x1e: {  	s7 =	smul.u32 @!p0 $0xF7A, s2;
	p2 =	seq.s32 @!p0 s5, $0x0  }
0x1f: {  	s9 =	smul.u32 $0xF7A, s1;
	s8 =	simm.s32 @!p0 $0x1BF5;
	p2 =	por !p2, p0  }
0x20: {  	[sflag:s8] =	ssyncset.s32 @!p0 $0xFFFFF086;
	s6 =	sadd.s32 @!p0 s3, s7;
	s7 =	simm.s32 @!p0 $0x108  }
0x21: {  	s3 =	sadd.s32 s3, s9;
	s6 =	sadd.s32 @!p0 $0x88, s6;
	s7 =	simm.s32 @p2 $0x1082  }
0x22: {  	[simem:s7], [sflag:s8] =	dma.local @!p0 [hbm:s6], $0xF7A  }
0x23: {  	s9 =	sor.u32 $0xD0000000, s2;
	s6 =	simm.s32 $0x108;
	_ =	swait.ge @!p0 [sflag:s8], $0x0  }
0x24: {  	s3 =	sadd.s32 $0x88, s3;
	s6 =	simm.s32 @!p1 $0x1082;
	[sflag:s4] =	ssyncset.s32 $0xFFFFF086  }
0x25: {  	[simem:s6], [sflag:s4] =	dma.local [hbm:s3], $0xF7A  }
0x26: {  	[smem:$0x3F93] =	sst s1;
	(tag) =	ssettag s2;
	_ =	strace s9  }
0x27: {  	s1 =	sld [smem:$0x3FA3]  }
0x28: {  	s2 =	sld [smem:$0x3FA4]  }
0x29: {  	s4 =	sld [smem:$0x3FA6]  }
0x2a: {  	p0 =	seq.s32 s5, $0x0;
	s5 =	sld [smem:$0x3FA7]  }
0x2b: {  	s6 =	sld [smem:$0x3FA8]  }
0x2c: {  	s7 =	sld [smem:$0x3FA9]  }
0x2d: {  	s3 =	simm.s32 $0x108;
	s8 =	sld [smem:$0x3FAA]  }
0x2e: {  	s3 =	simm.s32 @!p0 $0x1082;
	s9 =	sld [smem:$0x3FAB]  }
0x2f: {  	lr =	sadd.s32 s0, s3;
	s0 =	sld [smem:$0x3FA2]  }
0x30: {  	s3 =	sld [smem:$0x3FA5]  }
0x31: {  	[smem:$0x3FAE] =	sst s10  }
0x32: {  	s10 =	sld [smem:$0x3FAC];
	_ =	sdelay $0x3  }
0x33: {  	p0 =	seq.s32 s10, $0x1;
	s10 =	sld [smem:$0x3FAE];
	_ =	sdelay $0x3  }
0x34: {  	[smem:$0x3FAE] =	sst s10  }
0x35: {  	s10 =	sld [smem:$0x3FAD];
	_ =	sdelay $0x3  }
0x36: {  	p1 =	seq.s32 s10, $0x1;
	s10 =	sld [smem:$0x3FAE];
	_ =	sdelay $0x3  }
0x37: {  	[smem:$0x3FAE] =	sst s10  }
0x38: {  	s10 =	sld [smem:$0x3FAF]  }
0x39: {  	_ = 	snop;
	(pc) =	sbr.ind lr, $3  }
0x3a: {  	_ = 	snop  }
0x3b: {  	_ = 	snop  }
0x3c: {  	p2 =	seq.s32 s10, $0x1;
	s10 =	sld [smem:$0x3FAE]  }
0x3d: {  	_ =	shalt  }
0x3e: {  	_ =	shalt  }
0x3f: {  	_ =	shalt  }
0x40: {  	_ =	shalt  }
0x41: {  	_ =	shalt  }
0x42: {  	_ =	shalt  }
0x43: {  	_ =	shalt  }
0x44: {  	_ =	shalt  }
0x45: {  	_ =	shalt  }
0x46: {  	_ =	shalt  }
0x47: {  	_ =	shalt  }
0x48: {  	_ =	shalt  }
0x49: {  	_ =	shalt  }
0x4a: {  	_ =	shalt  }
0x4b: {  	_ =	shalt  }
0x4c: {  	_ =	shalt  }
0x4d: {  	_ =	shalt  }
0x4e: {  	_ =	shalt  }
0x4f: {  	_ =	shalt  }
0x50: {  	_ =	shalt  }
0x51: {  	_ =	shalt  }
0x52: {  	_ =	shalt  }
0x53: {  	_ =	shalt  }
0x54: {  	_ =	shalt  }
0x55: {  	_ =	shalt  }
0x56: {  	_ =	shalt  }
0x57: {  	_ =	shalt  }
0x58: {  	_ =	shalt  }
0x59: {  	_ =	shalt  }
0x5a: {  	_ =	shalt  }
0x5b: {  	_ =	shalt  }
0x5c: {  	_ =	shalt  }
0x5d: {  	_ =	shalt  }
0x5e: {  	_ =	shalt  }
0x5f: {  	_ =	shalt  }
0x60: {  	_ =	shalt  }
0x61: {  	_ =	shalt  }
0x62: {  	_ =	shalt  }
0x63: {  	_ =	shalt  }
0x64: {  	_ =	shalt  }
0x65: {  	_ =	shalt  }
0x66: {  	_ =	shalt  }
0x67: {  	_ =	shalt  }
0x68: {  	_ =	shalt  }
0x69: {  	_ =	shalt  }
0x6a: {  	_ =	shalt  }
0x6b: {  	_ =	shalt  }
0x6c: {  	_ =	shalt  }
0x6d: {  	_ =	shalt  }
0x6e: {  	_ =	shalt  }
0x6f: {  	_ =	shalt  }
0x70: {  	_ =	shalt  }
0x71: {  	_ =	shalt  }
0x72: {  	_ =	shalt  }
0x73: {  	_ =	shalt  }
0x74: {  	_ =	shalt  }
0x75: {  	_ =	shalt  }
0x76: {  	_ =	shalt  }
0x77: {  	_ =	shalt  }
0x78: {  	_ =	shalt  }
0x79: {  	_ =	shalt  }
0x7a: {  	_ =	shalt  }
0x7b: {  	_ =	shalt  }
0x7c: {  	_ =	shalt  }
0x7d: {  	_ =	shalt  }
0x7e: {  	_ =	shalt  }
0x7f: {  	_ =	shalt  }
0x80: {  	_ =	shalt  }
0x81: {  	_ =	shalt  }
0x82: {  	_ =	shalt  }
0x83: {  	_ =	shalt  }
0x84: {  	_ =	shalt  }
0x85: {  	_ =	shalt  }
0x86: {  	_ =	shalt  }
0x87: {  	_ =	shalt  }
.Lfunc_end0:
.L_simem_size_0:
called_computation.1_lowered:
.L_overlay_start_0:
0x88: {  	s2 =	sld [smem:$0x3FD9]  }
0x89: {  	s3 =	sld [smem:$0x3FFE];
	_ =	sdelay $0x1  }
0x8a: {  	s1 =	srdreg.scid  }
0x8b: {  	s0 =	sand.u32 $0x1, s1  }
0x8c: {  	s17 =	sshll.u32 s0, $0xA;
	s2 =	sadd.s32 s3, s2  }
0x8d: {  	s2 =	sadd.s32 s2, s17  }
0x8e: {  	[smem:$0x3FBA] =	sst s2  }
0x8f: {  	_ = 	snop  }
0x90: {  	s2 =	sld [smem:$0x3FD0];
	(tm) =	ssettm $0x1  }
0x91: {  	s18 =	sld [smem:$0x3FFB];
	_ =	sdelay $0x3  }
0x92: {  	_ =	strace s18  }
0x93: {  	s3 =	sld [smem:$0x3FFC];
	_ =	sdelay $0x3  }
0x94: {  	_ =	strace s3  }
0x95: {  	s3 =	sld [smem:$0x3FFD];
	_ =	sdelay $0x3  }
0x96: {  	_ =	strace s3  }
0x97: {  	_ =	strace $0x8FFFFFFF  }
0x98: {  	s19 =	sld [smem:$0x3FDB];
	_ =	sdelay $0x1  }
0x99: {  	s4 =	simm.s32 $_scs_section_size  }
0x9a: {  	s5 =	simm.s32 $_size__tile_overlayer_lowered;
	s6 =	simm.s32 $_tile_overlayer_lowered  }
0x9b: {  	s22 =	simm.s32 $0x1BFF;
	s21 =	sshll.u32 s6, $0x1;
	s3 =	sadd.s32 s4, s19  }
0x9c: {  	s7 =	simm.s32 $0x0;
	s20 =	sshll.u32 s5, $0x1;
	s5 =	sadd.s32 s21, s3  }
0x9d: {  	[timem:s7], [sflag:s22] =	dma.local [hbm:s5], s20  }
0x9e: {  	_ =	swait.ge [sflag:s22], s20  }
0x9f: {  	s4 =	ssub.s32 $0x0, s20;
	[sflag:s22] =	ssyncset.done $0x0  }
0xa0: {  	[sflag:s22] =	ssyncadd.s32 s4;
	_ =	sdelay $0x1  }
0xa1: {  	s23 =	simm.s32 $0x1B8B  }
0xa2: {  	_ =	swait.ge [sflag:s23], $0x1  }
0xa3: {  	[sflag:s23] =	ssyncset.done $0x0  }
0xa4: {  	s25 =	simm.s32 $0x1B8E;
	s24 =	sld [smem:$0x3FFE];
	[sflag:s23] =	ssyncadd.s32 $0xFFFFFFFF  }
0xa5: {  	s26 =	simm.s32 $execute0_lowered;
	[smem:$0x3FD2] =	sst s25  }
0xa6: {  	s5 =	sshll.u32 s26, $0x1;
	_ =	strace $0x80000046;
	[dreg:$0x1] =	wrdreg $0xFFFFFFFF  }
0xa7: {  	s28 =	simm.s32 $_size_execute0_lowered;
	s3 =	sadd.s32 s3, s5;
	[dreg:$0x0] =	wrdreg $0x0  }
0xa8: {  	s5 =	sshll.u32 s28, $0x1;
	[dreg:$0x2] =	wrdreg s3  }
0xa9: {  	[dreg:$0x3] =	wrdreg s5  }
0xaa: {  	[dreg:$0x4] =	wrdreg $0xC0  }
0xab: {  	_ =	task [dreg:s7], $0x5FFFF  }
0xac: {  	[dreg:$0x1] =	wrdreg $0xFFFFFFFF  }
0xad: {  	[dreg:$0x0] =	wrdreg $0x60  }
0xae: {  	[dreg:$0x2] =	wrdreg s24  }
0xaf: {  	[dreg:$0x3] =	wrdreg s2  }
0xb0: {  	[dreg:$0x4] =	wrdreg $0xA  }
0xb1: {  	_ =	task.clear_ibuf [dreg:s7], $0x5FFFF;
	_ =	strace $0x90000046  }
0xb2: {  	s29 =	simm.s32 $0xA;
	_ =	strace $0x80000048  }
0xb3: {  	_ =	swait.ge [sflag:s29], $0x1  }
0xb4: {  	[sflag:s29] =	ssyncadd.s32 $0xFFFFFFFF  }
0xb5: {  	_ =	strace $0x90000048  }
0xb6: {  	_ =	sfence  }
0xb7: {  	s30 =	sld [smem:$0x0];
	_ =	sdelay $0x2  }
0xb8: {  	s31 =	sshll.u32 s1, $0xD;
	s1 =	sshrl.u32 s1, $0x2  }
0xb9: {  	s3 =	sand.u32 $0x4000, s31;
	s1 =	sadd.s32 s1, s30  }
0xba: {  	s0 =	sor.u32 s3, s0;
	s1 =	sshll.u32 s1, $0x11  }
0xbb: {  	s0 =	sor.u32 s1, s0  }
0xbc: {  	s0 =	sadd.s32 $0x8F2B, s0  }
0xbd: {  	[sflag:s0] =	ssyncadd.remote.s32 $0x1  }
0xbe: {  	_ =	sfence.sel $0xFFFF  }
0xbf: {  	[dreg:$0x0] =	wrdreg $0xFFFFFFFF;
	(pc) =	sbr.abs _section_cstart, $3  }
0xc0: {  	[dreg:$0x1] =	wrdreg $0xFFFFFFFF  }
0xc1: {  	_ =	task.clear_ibuf [dreg:s7], $0x2FFFF;
	_ =	strace $0x9FFFFFFF  }
0xc2: {  	(tm) =	ssettm $0x7FFFFFFF  }
0xc3: {  	_ =	shalt  }
tec
execute0_lowered:
.L_overlay_start_1:
0x0: {  	(tag) =	ssettag $0x1  }
0x1: {  	s1 =	srdreg.scid  }
0x2: {  	s0 =	stileid.u32;
	s6 =	sand.u32 $0x1, s1  }
0x3: {  	s5 =	rddreg [dreg:$0x0];
	s30 =	sshll.u32 s0, $0x8;
	s2 =	sshll.u32 s6, $0x7  }
0x4: {  	s8 =	rddreg [dreg:$0x1];
	s9 =	sor.u32 s2, s30  }
0x5: {  	s1 =	rddreg [dreg:$0x2];
	s2 =	simm.s32 $0x0;
	s3 =	sshrl.u32 s9, $0x3  }
0x6: {  	s10 =	ssub.s32 $0x2, s6;
	[smem:$0x7FF] =	sst s2;
	s3 =	sadd.s32 s3, s5  }
0x7: {  	_ =	strace $0x80000047;
	s4 =	sadd.s32 $0x2200, s3;
	s3 =	simm.s32 $0x2  }
0x8: {  	[tilespmem:s2], [sflag:$0x2] =	stream.linear.gather [hbm4b:s4+s2], $0x80, $0x38;
	[tilespmem:$0x2080] =	vst v63  }
0x9: {  	s7 =	simm.s32 $0x1;
	s11 =	sshrl.u32 s10, $0x1;
	_ =	swait.ge [sflag:s3], $0x80  }
0xa: {  	s6 =	simm.s32 $0x80;
	s10 =	ssub.s32 s10, s11;
	[sflag:s3] =	ssyncset.done $0x0  }
0xb: {  	s5 =	sadd.s32 $0x102400, s5;
	s31 =	smax.u32 s10, $0x1;
	[sflag:s3] =	ssyncadd.s32 $0xFFFFFF80  }
0xc: {  	[tilespmem:s6], [sflag:$0x1] =	stream.indirect.gather [hbm4b:s5+s6], $0x40, s2, s6, $0xb8;
	[tilespmem:$0x2080] =	vst v63  }
0xd: {  	p0 =	sne.s32 s31, $0x1;
	_ =	swait.ge [sflag:s7], $0x2000  }
.Ltmp0:
0xe: {  	s9 =	sshll.u32 s9, $0x3;
	[sflag:s7] =	ssyncset.done $0x0;
	(pc) =	sbr.rel @!p0 .LBB2_2-.Ltmp0, $4  }
0xf: {  	s8 =	sadd.s32 s8, s9;
	[sflag:s7] =	ssyncadd.s32 $0xFFFFE000  }
0x10: {  	[hbm4b:s8+s2] =	stream.linear.scatter [tilespmem:s6], [sflag:$0x2], $0x2000, $0x38;
	[tilespmem:$0x2080] =	vst v63  }
0x11: {  	_ =	swait.ge [sflag:s3], $0x2000  }
0x12: {  	s9 =	sadd.s32 $0xFFFFFFFF, s31;
	[sflag:s3] =	ssyncset.done $0x0  }
.LBB2_1:
0x13: {  	p0 =	sne.s32 s9, $0x1;
	s9 =	sadd.s32 $0xFFFFFFFF, s9;
	[sflag:s3] =	ssyncadd.s32 $0xFFFFE000  }
0x14: {  	[tilespmem:s2], [sflag:$0x2] =	stream.linear.gather [hbm4b:s4+s2], $0x80, $0x38;
	[tilespmem:$0x2080] =	vst v63  }
0x15: {  	_ =	swait.ge [sflag:s3], $0x80  }
0x16: {  	[sflag:s3] =	ssyncset.done $0x0  }
0x17: {  	[sflag:s3] =	ssyncadd.s32 $0xFFFFFF80  }
0x18: {  	[tilespmem:s6], [sflag:$0x1] =	stream.indirect.gather [hbm4b:s5+s6], $0x40, s2, s6, $0xb8;
	[tilespmem:$0x2080] =	vst v63  }
0x19: {  	_ =	swait.ge [sflag:s7], $0x2000  }
.Ltmp1:
0x1a: {  	[sflag:s7] =	ssyncset.done $0x0;
	(pc) =	sbr.rel @p0 .LBB2_1-.Ltmp1, $4  }
0x1b: {  	[sflag:s7] =	ssyncadd.s32 $0xFFFFE000  }
0x1c: {  	[hbm4b:s8+s2] =	stream.linear.scatter [tilespmem:s6], [sflag:$0x2], $0x2000, $0x38;
	[tilespmem:$0x2080] =	vst v63  }
0x1d: {  	_ =	swait.ge [sflag:s3], $0x2000  }
0x1e: {  	[sflag:s3] =	ssyncset.done $0x0  }
.LBB2_2:
0x1f: {  	[sflag:s3] =	ssyncadd.s32 $0xFFFFE000  }
0x20: {  	_ =	sfence.sel $0x180000  }
0x21: {  	[bflag:$0x0] =	sbarrier.arrive $0xFFFF  }
0x22: {  	p0 =	sne.s32 s0, $0x0;
	_ =	strace $0x90000047  }
0x23: {  	s0 =	sadd.s32 @!p0 $0x100000, s1;
	[bflag:$0x2] =	sbarrier.arrive $0xFFFF  }
0x24: {  	[sflag:s0] =	ssyncadd.tile.s32 @!p0 $0x1;
	_ =	shalt  }
.Lfunc_end2:
_tile_overlayer_lowered:
.L_overlay_start_2:
0x25: {  	(tag) =	ssettag $0x2  }
0x26: {  	s0 =	rddreg [dreg:$0x0];
	s2 =	stileid.u32  }
0x27: {  	s1 =	rddreg [dreg:$0x1];
	p0 =	sne.s32 s2, $0x0  }
0x28: {  	s3 =	rddreg [dreg:$0x2];
	[bflag:$0x3] =	sbarrier.arrive $0xFFFF;
	s2 =	simm.s32 @!p0 $0x1C02  }
0x29: {  	[timem:s3], [sflag:s2] =	dma.local @!p0 [hbm:s0], s1  }
0x2a: {  	s0 =	simm.s32 @!p0 $0x2  }
0x2b: {  	_ =	swait.ge @!p0 [sflag:s0], s1  }
0x2c: {  	s1 =	ssub.s32 @!p0 $0x0, s1;
	[sflag:s0] =	ssyncset.done @!p0 $0x0  }
0x2d: {  	[sflag:s0] =	ssyncadd.s32 @!p0 s1  }
0x2e: {  	[bflag:$0x3] =	sbarrier.arrive $0xFFFF  }
0x2f: {  	_ =	shalt  }

</sc_bundles>
